<compile_context>
chip_gen: v7x
topology: tpu7x:2x2x1
jax: 0.10.2.dev20260603
libtpu: 0.0.44.dev20260713+nightly
codegen_flags: <defaults>
</compile_context>

<pallas_src>
import functools

import jax
import jax.numpy as jnp
from jax import lax
from jax.experimental import pallas as pl
from jax.experimental.pallas import tpu as pltpu
from jax.experimental.pallas import tpu_sc as plsc

_D = 768
_H = 12
_DH = 64
_E = 32
_FF = 2048
_B = 16
_S = 65
_SP = 72
_T = _B * _SP
_C = 65
_CP = 72
_NSLOT = _E * _CP
_TP = 1280
_NACT = 1968
_R = 192
_NBLK = _T // _R

_HI = lax.Precision.HIGHEST


def _dot(a, b, prec=_HI):
    return jax.lax.dot(a, b, preferred_element_type=jnp.float32, precision=prec)


def _bdot(a, b):
    return jax.lax.dot(a.astype(jnp.bfloat16), b.astype(jnp.bfloat16),
                       preferred_element_type=jnp.float32)


def _b16(x):
    return x.astype(jnp.bfloat16).astype(jnp.float32)


def _rmsn(x, w):
    return x * lax.rsqrt(jnp.mean(x * x, axis=-1, keepdims=True) + 1e-6) * w


def _sel_rows(oh, emb):
    oh16 = oh.astype(jnp.bfloat16)
    e0 = emb.astype(jnp.bfloat16)
    r1 = emb - e0.astype(jnp.float32)
    e1 = r1.astype(jnp.bfloat16)
    e2 = (r1 - e1.astype(jnp.float32)).astype(jnp.bfloat16)
    d = lambda w: jax.lax.dot(oh16, w, preferred_element_type=jnp.float32)
    return d(e0) + d(e1) + d(e2)


def _k_embed_qkv(i1_ref, i2_ref, pe_ref, ce_ref, ln_ref, wq_ref, wk_ref,
                 wv_ref, x_ref, q_ref, k_ref, v_ref):
    i1 = i1_ref[...]
    i2 = i2_ref[...]
    oh1 = (lax.broadcasted_iota(jnp.int32, (_R, 65), 1) == i1).astype(jnp.float32)
    oh2 = (lax.broadcasted_iota(jnp.int32, (_R, 14), 1) == i2).astype(jnp.float32)
    x = _sel_rows(oh1, pe_ref[...]) + _sel_rows(oh2, ce_ref[...])
    x_ref[...] = x
    h = _rmsn(x, ln_ref[...])
    q_ref[...] = _bdot(h, wq_ref[...])
    k_ref[...] = _bdot(h, wk_ref[...])
    v_ref[...] = _bdot(h, wv_ref[...])


def _k_attn(q_ref, k_ref, v_ref, out_ref):
    q2 = q_ref[0]
    k2 = k_ref[0]
    v2 = v_ref[0]
    kvalid = lax.broadcasted_iota(jnp.int32, (_SP, _SP), 1) < _S
    outs = []
    for off in (0, _DH):
        qh = q2[:, off:off + _DH]
        kh = k2[:, off:off + _DH]
        vh = v2[:, off:off + _DH]
        s = lax.dot_general(qh.astype(jnp.bfloat16), kh.astype(jnp.bfloat16),
                            (((1,), (1,)), ((), ())),
                            preferred_element_type=jnp.float32) * (1.0 / 8.0)
        s = jnp.where(kvalid, s, -1e30)
        m = jnp.max(s, axis=-1, keepdims=True)
        p = jnp.exp(s - m)
        p = p / jnp.sum(p, axis=-1, keepdims=True)
        outs.append(_bdot(p, vh))
    out_ref[0] = jnp.concatenate(outs, axis=-1)


def _k_ffn_qkv(o_ref, xres_ref, wproj_ref, ln2_ref, wi_ref, wo_ref, ln1_ref,
               wq_ref, wk_ref, wv_ref, x2_ref, q_ref, k_ref, v_ref):
    x = xres_ref[...] + _bdot(o_ref[...], wproj_ref[...])
    h = _rmsn(x, ln2_ref[...])
    f = jnp.maximum(_bdot(h, wi_ref[...]), 0.0)
    x2 = x + _bdot(f, wo_ref[...])
    x2_ref[...] = x2
    h2 = _rmsn(x2, ln1_ref[...])
    q_ref[...] = _bdot(h2, wq_ref[...])
    k_ref[...] = _bdot(h2, wk_ref[...])
    v_ref[...] = _bdot(h2, wv_ref[...])


def _k_router(o_ref, xres_ref, wproj_ref, ln_ref, rw_ref, valid_ref, xc_ref,
              h_ref, probs_ref, gate_ref, slot_ref, src8_ref, carry_ref):
    i = pl.program_id(0)

    @pl.when(i == 0)
    def _():
        carry_ref[...] = jnp.zeros_like(carry_ref)

    x = xres_ref[...] + _bdot(o_ref[...], wproj_ref[...])
    xc_ref[...] = x
    h = _rmsn(x, ln_ref[...])
    h_ref[...] = h
    logits = _bdot(h, rw_ref[...])
    m = jnp.max(logits, axis=-1, keepdims=True)
    ex = jnp.exp(logits - m)
    probs = ex / jnp.sum(ex, axis=-1, keepdims=True)
    probs_ref[...] = probs
    gate = jnp.max(probs, axis=-1, keepdims=True)
    eiota = lax.broadcasted_iota(jnp.int32, (_R, _E), 1)
    idx = jnp.min(jnp.where(probs == gate, eiota, _E), axis=-1, keepdims=True)
    oh = (eiota == idx).astype(jnp.float32) * valid_ref[...]
    tril = (lax.broadcasted_iota(jnp.int32, (_R, _R), 1)
            <= lax.broadcasted_iota(jnp.int32, (_R, _R), 0)).astype(jnp.float32)
    base = carry_ref[...]
    pos = _dot(tril, oh) + base
    carry_ref[...] = base + jnp.sum(oh, axis=0, keepdims=True)
    pos_tok = jnp.sum(pos * oh, axis=-1, keepdims=True)
    keep = (pos_tok >= 1.0) & (pos_tok <= float(_C))
    slot = idx * _CP + (pos_tok.astype(jnp.int32) - 1)
    slot_ref[...] = jnp.where(keep, slot, 0)
    gate_ref[...] = jnp.where(keep, gate, 0.0)
    sdisp = jnp.where(keep, slot, _NSLOT + 7)
    ohts = (lax.broadcasted_iota(jnp.int32, (_R, _NSLOT), 1)
            == sdisp).astype(jnp.float32)
    tvals = (lax.broadcasted_iota(jnp.int32, (_R, 8), 0)
             + i * _R).astype(jnp.float32)
    contrib = lax.dot_general(ohts, tvals, (((0,), (0,)), ((), ())),
                              preferred_element_type=jnp.float32,
                              precision=_HI)

    @pl.when(i == 0)
    def _():
        src8_ref[...] = contrib

    @pl.when(i > 0)
    def _():
        src8_ref[...] += contrib


def _k_expert(b_ref, wi_ref, wo_ref, o_ref):
    x = b_ref[0]
    hmid = jnp.maximum(_bdot(x, wi_ref[0]), 0.0)
    o_ref[0] = _bdot(hmid, wo_ref[0])


def _k_final(x_ref, y_ref, gate_ref, ln_ref, w3_ref, b3_ref, enc_ref, o3_ref):
    xd = x_ref[...] + _b16(gate_ref[...]) * _b16(y_ref[...])
    enc = _rmsn(xd, ln_ref[...])
    enc_ref[...] = enc
    o3_ref[...] = _bdot(enc, w3_ref[...]) + b3_ref[...]


def _k_out1(enc_ref, w1_ref, mask_ref, b1_ref, rw_ref, rb_ref, out_ref, val_ref):
    s = pl.program_id(0)
    e = enc_ref[:, 0, 0, :]
    contrib = lax.dot_general(e.astype(jnp.bfloat16),
                              w1_ref[...].astype(jnp.bfloat16),
                              (((1,), (1,)), ((), ())),
                              preferred_element_type=jnp.float32)
    vcontrib = jnp.sum(_b16(e) * _b16(rw_ref[0]), axis=-1, keepdims=True)

    @pl.when(s == 0)
    def _():
        out_ref[...] = contrib
        val_ref[...] = vcontrib

    @pl.when(s > 0)
    def _():
        out_ref[...] += contrib
        val_ref[...] += vcontrib

    @pl.when(s == _S - 1)
    def _():
        o = out_ref[...] + b1_ref[...]
        out_ref[...] = jnp.where(mask_ref[...] < -1.0, -1e30, o)
        val_ref[...] = jnp.tanh(val_ref[...] + rb_ref[...])


def _row_gather(table, idx):
    v, d = table.shape
    n = idx.shape[0]
    info = plsc.get_sparse_core_info()
    nw = info.num_cores * info.num_subcores
    b_per_w = n // nw
    mesh = plsc.VectorSubcoreMesh(core_axis_name="c", subcore_axis_name="s")

    @functools.partial(
        pl.kernel, mesh=mesh,
        out_type=jax.ShapeDtypeStruct((n, d), jnp.float32),
        scratch_types=[
            pltpu.VMEM((b_per_w,), jnp.int32),
            pltpu.VMEM((b_per_w, d), jnp.float32),
            pltpu.SemaphoreType.DMA,
        ],
    )
    def gk(table_hbm, idx_hbm, out_hbm, idx_v, rows_v, sem):
        wid = lax.axis_index("s") * info.num_cores + lax.axis_index("c")
        base = wid * b_per_w
        pltpu.sync_copy(idx_hbm.at[pl.ds(base, b_per_w)], idx_v)
        pltpu.async_copy(table_hbm.at[idx_v], rows_v, sem).wait()
        pltpu.sync_copy(rows_v, out_hbm.at[pl.ds(base, b_per_w)])

    return gk(table, idx)


def kernel(input1, input2, mask, pos_emb, piece_emb, ln1_0, wq_0, wk_0, wv_0,
           wo_0, ln2_0, ffn_wi_0, ffn_wo_0, ln1_1, wq_1, wk_1, wv_1, wo_1,
           ln2_1, router_w, exp_wi, exp_wo, final_ln, out1_w, out1_b, out3_w,
           out3_b, rew_w, rew_b):
    f32 = jnp.float32
    pad = ((0, 0), (0, _SP - _S))
    i1 = jnp.pad(input1, pad).reshape(_T, 1).astype(jnp.int32)
    i2 = jnp.pad(input2, pad).reshape(_T, 1).astype(jnp.int32)
    valid = (jnp.arange(_T, dtype=jnp.int32) % _SP < _S).astype(f32).reshape(_T, 1)

    rowspec = pl.BlockSpec((_R, _D), lambda i: (i, 0))
    col1spec = pl.BlockSpec((_R, 1), lambda i: (i, 0))

    def const(shape):
        nd = len(shape)
        return pl.BlockSpec(shape, lambda i, _n=nd: (0,) * _n)

    x0, q0, k0, v0 = pl.pallas_call(
        _k_embed_qkv,
        grid=(_NBLK,),
        in_specs=[col1spec, col1spec, const((65, _D)), const((14, _D)),
                  const((1, _D)), const((_D, _D)), const((_D, _D)),
                  const((_D, _D))],
        out_specs=[rowspec] * 4,
        out_shape=[jax.ShapeDtypeStruct((_T, _D), f32)] * 4,
    )(i1, i2, pos_emb, piece_emb, ln1_0.reshape(1, _D), wq_0, wk_0, wv_0)

    def attn(q, k, v):
        q3 = q.reshape(_B, _SP, _D)
        k3 = k.reshape(_B, _SP, _D)
        v3 = v.reshape(_B, _SP, _D)
        hspec = pl.BlockSpec((1, _SP, 128), lambda b, h2: (b, 0, h2))
        return pl.pallas_call(
            _k_attn,
            grid=(_B, _H // 2),
            in_specs=[hspec, hspec, hspec],
            out_specs=pl.BlockSpec((1, _SP, 128), lambda b, h2: (b, 0, h2)),
            out_shape=jax.ShapeDtypeStruct((_B, _SP, _D), f32),
        )(q3, k3, v3).reshape(_T, _D)

    o0 = attn(q0, k0, v0)

    xb, q1, k1, v1 = pl.pallas_call(
        _k_ffn_qkv,
        grid=(_NBLK,),
        in_specs=[rowspec, rowspec, const((_D, _D)), const((1, _D)),
                  const((_D, _FF)), const((_FF, _D)), const((1, _D)),
                  const((_D, _D)), const((_D, _D)), const((_D, _D))],
        out_specs=[rowspec] * 4,
        out_shape=[jax.ShapeDtypeStruct((_T, _D), f32)] * 4,
    )(o0, x0, wo_0, ln2_0.reshape(1, _D), ffn_wi_0, ffn_wo_0,
      ln1_1.reshape(1, _D), wq_1, wk_1, wv_1)

    o1 = attn(q1, k1, v1)

    xc, h, probs, gate, slot, src8 = pl.pallas_call(
        _k_router,
        grid=(_NBLK,),
        in_specs=[rowspec, rowspec, const((_D, _D)), const((1, _D)),
                  const((_D, _E)), col1spec],
        out_specs=[rowspec, rowspec, pl.BlockSpec((_R, _E), lambda i: (i, 0)),
                   col1spec, col1spec, const((_NSLOT, 8))],
        out_shape=[
            jax.ShapeDtypeStruct((_T, _D), f32),
            jax.ShapeDtypeStruct((_T, _D), f32),
            jax.ShapeDtypeStruct((_T, _E), f32),
            jax.ShapeDtypeStruct((_T, 1), f32),
            jax.ShapeDtypeStruct((_T, 1), jnp.int32),
            jax.ShapeDtypeStruct((_NSLOT, 8), f32),
        ],
        scratch_shapes=[pltpu.VMEM((1, _E), f32)],
    )(o1, xb, wo_1, ln2_1.reshape(1, _D), router_w, valid)

    src = src8[:, 0].astype(jnp.int32)
    buf = _row_gather(h, src)

    eo = pl.pallas_call(
        _k_expert,
        grid=(_E,),
        in_specs=[pl.BlockSpec((1, _CP, _D), lambda e: (e, 0, 0)),
                  pl.BlockSpec((1, _D, _FF), lambda e: (e, 0, 0)),
                  pl.BlockSpec((1, _FF, _D), lambda e: (e, 0, 0))],
        out_specs=pl.BlockSpec((1, _CP, _D), lambda e: (e, 0, 0)),
        out_shape=jax.ShapeDtypeStruct((_E, _CP, _D), f32),
    )(buf.reshape(_E, _CP, _D), exp_wi, exp_wo)

    slot_pad = jnp.concatenate(
        [slot.reshape(_T), jnp.zeros((_TP - _T,), jnp.int32)])
    y = _row_gather(eo.reshape(_NSLOT, _D), slot_pad)[:_T]

    encoded, out3 = pl.pallas_call(
        _k_final,
        grid=(_NBLK,),
        in_specs=[rowspec, rowspec, col1spec, const((1, _D)),
                  const((_D, 14)), const((1, 14))],
        out_specs=[rowspec, pl.BlockSpec((_R, 14), lambda i: (i, 0))],
        out_shape=[jax.ShapeDtypeStruct((_T, _D), f32),
                   jax.ShapeDtypeStruct((_T, 14), f32)],
    )(xc, y, gate, final_ln.reshape(1, _D), out3_w, out3_b.reshape(1, 14))

    enc4 = encoded.reshape(_B, _SP, 1, _D)
    w1t = out1_w.T
    rwr = rew_w.reshape(_S, 1, _D)
    out1_final, values = pl.pallas_call(
        _k_out1,
        grid=(_S,),
        in_specs=[pl.BlockSpec((_B, 1, 1, _D), lambda s: (0, s, 0, 0)),
                  pl.BlockSpec((_NACT, _D), lambda s: (0, s)),
                  pl.BlockSpec((_B, _NACT), lambda s: (0, 0)),
                  pl.BlockSpec((1, _NACT), lambda s: (0, 0)),
                  pl.BlockSpec((1, 1, _D), lambda s: (s, 0, 0)),
                  pl.BlockSpec((1, 1), lambda s: (0, 0))],
        out_specs=[pl.BlockSpec((_B, _NACT), lambda s: (0, 0)),
                   pl.BlockSpec((_B, 1), lambda s: (0, 0))],
        out_shape=[jax.ShapeDtypeStruct((_B, _NACT), f32),
                   jax.ShapeDtypeStruct((_B, 1), f32)],
    )(enc4, w1t, mask, out1_b.reshape(1, _NACT), rwr, rew_b.reshape(1, 1))

    enc3 = encoded.reshape(_B, _SP, _D)
    return (out1_final, out3.reshape(_B, _SP, 14)[:, :_S, :],
            enc3[:, _S - 1, :], values,
            probs.reshape(_B, _SP, _E)[:, :_S, :])

# --- scband reference (transcript-rebuilt; emitter-appended) ---
"""Pipeline reference for scband-chess-model-actor-41154376630834 (READ-ONLY COPY).

The authoritative reference and input builder live on the scoring server;
editing this copy changes nothing except your own understanding.
"""

import jax, jax.numpy as jnp
import numpy as np

D = 768; H = 12; DH = 64; E = 32; FF = 2048; B = 16; S = 65
N_ACT = 1968

def _n(k, shape, s=0.02):
    return jax.random.normal(k, shape, dtype=jnp.float32) * s

def setup_inputs(seed: int = 0):
    key = jax.random.key(seed)
    ks = jax.random.split(key, 32)
    inp = {}
    inp['input1'] = jax.random.randint(ks[0], (B, S), 0, 65)
    inp['input2'] = jax.random.randint(ks[1], (B, S), 0, 14)
    inp['mask'] = jax.random.normal(ks[2], (B, N_ACT), dtype=jnp.float32)
    inp['pos_emb'] = _n(ks[3], (65, D))
    inp['piece_emb'] = _n(ks[4], (14, D))
    inp['ln1_0'] = jnp.ones((D,), jnp.float32)
    inp['wq_0'] = _n(ks[5], (D, D)); inp['wk_0'] = _n(ks[6], (D, D))
    inp['wv_0'] = _n(ks[7], (D, D)); inp['wo_0'] = _n(ks[8], (D, D))
    inp['ln2_0'] = jnp.ones((D,), jnp.float32)
    inp['ffn_wi_0'] = _n(ks[9], (D, FF)); inp['ffn_wo_0'] = _n(ks[10], (FF, D))
    inp['ln1_1'] = jnp.ones((D,), jnp.float32)
    inp['wq_1'] = _n(ks[11], (D, D)); inp['wk_1'] = _n(ks[12], (D, D))
    inp['wv_1'] = _n(ks[13], (D, D)); inp['wo_1'] = _n(ks[14], (D, D))
    inp['ln2_1'] = jnp.ones((D,), jnp.float32)
    inp['router_w'] = _n(ks[15], (D, E))
    inp['exp_wi'] = _n(ks[16], (E, D, FF)); inp['exp_wo'] = _n(ks[17], (E, FF, D))
    inp['final_ln'] = jnp.ones((D,), jnp.float32)
    inp['out1_w'] = _n(ks[18], (S * D, N_ACT)); inp['out1_b'] = jnp.zeros((N_ACT,), jnp.float32)
    inp['out3_w'] = _n(ks[19], (D, 14)); inp['out3_b'] = jnp.zeros((14,), jnp.float32)
    inp['rew_w'] = _n(ks[20], (S * D, 1)); inp['rew_b'] = jnp.zeros((1,), jnp.float32)
    return inp

def _rms(x, w):
    return x * jax.lax.rsqrt(jnp.mean(x * x, axis=-1, keepdims=True) + 1e-6) * w

def _mha(x, wq, wk, wv, wo):
    b, s, _ = x.shape
    q = (x @ wq).reshape(b, s, H, DH).transpose(0, 2, 1, 3)
    k = (x @ wk).reshape(b, s, H, DH).transpose(0, 2, 1, 3)
    v = (x @ wv).reshape(b, s, H, DH).transpose(0, 2, 1, 3)
    a = jax.nn.softmax((q @ k.transpose(0, 1, 3, 2)) / jnp.sqrt(float(DH)), axis=-1)
    o = (a @ v).transpose(0, 2, 1, 3).reshape(b, s, D)
    return o @ wo

def _moe(xt, router_w, exp_wi, exp_wo):
    T = xt.shape[0]
    C = (2 * T) // E
    logits = xt @ router_w
    probs = jax.nn.softmax(logits, axis=-1)
    gate = jnp.max(probs, axis=-1)
    idx = jnp.argmax(probs, axis=-1)
    oh = jax.nn.one_hot(idx, E, dtype=xt.dtype)
    pos = jnp.cumsum(oh, axis=0) * oh
    keep = (pos <= C) & (oh > 0)
    loc = jnp.clip(pos - 1, 0, C - 1).astype(jnp.int32)
    disp = jnp.where(keep[..., None], jax.nn.one_hot(loc, C, dtype=xt.dtype), 0.0)
    ein = jnp.einsum('tec,td->ecd', disp, xt)
    h = jax.nn.relu(jnp.einsum('ecd,edf->ecf', ein, exp_wi))
    eo = jnp.einsum('ecf,efd->ecd', h, exp_wo)
    y = jnp.einsum('tec,ecd->td', disp * gate[:, None, None], eo)
    return y, probs

def reference(input1, input2, mask, pos_emb, piece_emb, ln1_0, wq_0, wk_0, wv_0, wo_0, ln2_0, ffn_wi_0, ffn_wo_0, ln1_1, wq_1, wk_1, wv_1, wo_1, ln2_1, router_w, exp_wi, exp_wo, final_ln, out1_w, out1_b, out3_w, out3_b, rew_w, rew_b):
    x = pos_emb[input1] + piece_emb[input2]
    h = _rms(x, ln1_0)
    x = x + _mha(h, wq_0, wk_0, wv_0, wo_0)
    h = _rms(x, ln2_0)
    x = x + jax.nn.relu(h @ ffn_wi_0) @ ffn_wo_0
    h = _rms(x, ln1_1)
    x = x + _mha(h, wq_1, wk_1, wv_1, wo_1)
    h = _rms(x, ln2_1)
    y, probs = _moe(h.reshape(B * S, D), router_w, exp_wi, exp_wo)
    x = x + y.reshape(B, S, D)
    encoded = _rms(x, final_ln)
    flat = encoded.reshape(B, S * D)
    out1 = flat @ out1_w + out1_b
    out1_final = jnp.where(mask < -1.0, -1e30, out1)
    out3 = encoded @ out3_w + out3_b
    values = jnp.tanh(flat @ rew_w + rew_b)
    return (out1_final, out3, encoded[:, -1, :], values, probs.reshape(B, S, E))

if __name__ == "__main__":
    import jax
    _d = setup_inputs()
    print(jax.jit(kernel)(*tuple(_d.values())))

</pallas_src>

<mosaic_0001>
#map = affine_map<(d0, d1) -> (0, 0)>
#map1 = affine_map<(d0, d1) -> (0)>
module attributes {stable_mosaic.version = 14 : i64} {
  func.func @gk(%arg0: i32, %arg1: i32, %arg2: memref<1152x768xf32, #tpu.memory_space<hbm>>, %arg3: memref<2304xi32, #tpu.memory_space<hbm>>, %arg4: memref<2304x768xf32, #tpu.memory_space<hbm>>, %arg5: memref<72xi32, #tpu.memory_space<vmem>>, %arg6: memref<72x768xf32, #tpu.memory_space<vmem>>, %arg7: memref<!tpu.dma_semaphore, #tpu.memory_space<semaphore_mem>>) attributes {dimension_semantics = [#tpu.dimension_semantics<core_parallel>, #tpu.dimension_semantics<subcore_parallel>], iteration_bounds = array<i64: 2, 16>, scalar_prefetch = 0 : i64, scratch_operands = 3 : i64, tpu.core_type = #tpu.core_type<sc_vector_subcore>, window_params = [{transform_indices = #map}, {transform_indices = #map1}, {transform_indices = #map}]} {
    %mul3A = arith.constant 2 : i32
    %mul3A_0 = arith.muli %arg1, %mul3A : i32
    %add3A = arith.addi %mul3A_0, %arg0 : i32
    %mul3A_1 = arith.constant 72 : i32
    %mul3A_2 = arith.muli %add3A, %mul3A_1 : i32
    "tpu.region"() ({
      %run_scoped3A = tpu.sem_alloc : memref<!tpu.dma_semaphore, #tpu.memory_space<semaphore_mem>>
      %dma_start3A_7 = tpu.memref_slice %arg3[%mul3A_2] : memref<2304xi32, #tpu.memory_space<hbm>> -> memref<72xi32, #tpu.memory_space<hbm>>
      %dma_start3A_8 = tpu.memref_slice %arg3[%mul3A_2] : memref<2304xi32, #tpu.memory_space<hbm>> -> memref<72xi32, #tpu.memory_space<hbm>>
      tpu.enqueue_dma source(%dma_start3A_8 : memref<72xi32, #tpu.memory_space<hbm>>) target(%arg5 : memref<72xi32, #tpu.memory_space<vmem>>) target_semaphore(%run_scoped3A : memref<!tpu.dma_semaphore, #tpu.memory_space<semaphore_mem>>)
      %dma_wait3A_9 = tpu.memref_slice %arg3[%mul3A_2] : memref<2304xi32, #tpu.memory_space<hbm>> -> memref<72xi32, #tpu.memory_space<hbm>>
      %dma_wait3A_10 = tpu.memref_slice %arg3[%mul3A_2] : memref<2304xi32, #tpu.memory_space<hbm>> -> memref<72xi32, #tpu.memory_space<hbm>>
      tpu.wait_dma2 semaphore(%run_scoped3A : memref<!tpu.dma_semaphore, #tpu.memory_space<semaphore_mem>>) src(%dma_wait3A_10 : memref<72xi32, #tpu.memory_space<hbm>>) dst(%arg5 : memref<72xi32, #tpu.memory_space<vmem>>)
      tpu.yield
    }) : () -> ()
    %dma_start3A = arith.constant 0 : i32
    %dma_start3A_3 = arith.constant 0 : i32
    %dma_start3A_4 = tpu.memref_slice %arg2[%dma_start3A, %dma_start3A_3] : memref<1152x768xf32, #tpu.memory_space<hbm>> -> memref<1152x768xf32, #tpu.memory_space<hbm>>
    tpu.enqueue_indirect_dma source(%dma_start3A_4 : memref<1152x768xf32, #tpu.memory_space<hbm>>) target(%arg6 : memref<72x768xf32, #tpu.memory_space<vmem>>) offsets(%arg5 : memref<72xi32, #tpu.memory_space<vmem>>) semaphore(%arg7 : memref<!tpu.dma_semaphore, #tpu.memory_space<semaphore_mem>>)
    %dma_wait3A = arith.constant 0 : i32
    %dma_wait3A_5 = arith.constant 0 : i32
    %dma_wait3A_6 = tpu.memref_slice %arg2[%dma_wait3A, %dma_wait3A_5] : memref<1152x768xf32, #tpu.memory_space<hbm>> -> memref<1152x768xf32, #tpu.memory_space<hbm>>
    tpu.wait_indirect_dma semaphore(%arg7 : memref<!tpu.dma_semaphore, #tpu.memory_space<semaphore_mem>>) src(%dma_wait3A_6 : memref<1152x768xf32, #tpu.memory_space<hbm>>) dst(%arg6 : memref<72x768xf32, #tpu.memory_space<vmem>>)
    "tpu.region"() ({
      %run_scoped3A = tpu.sem_alloc : memref<!tpu.dma_semaphore, #tpu.memory_space<semaphore_mem>>
      %dma_start3A_7 = arith.constant 0 : i32
      %dma_start3A_8 = tpu.memref_slice %arg4[%mul3A_2, %dma_start3A_7] : memref<2304x768xf32, #tpu.memory_space<hbm>> -> memref<72x768xf32, #tpu.memory_space<hbm>>
      %dma_start3A_9 = arith.constant 0 : i32
      %dma_start3A_10 = tpu.memref_slice %arg4[%mul3A_2, %dma_start3A_9] : memref<2304x768xf32, #tpu.memory_space<hbm>> -> memref<72x768xf32, #tpu.memory_space<hbm>>
      tpu.enqueue_dma source(%arg6 : memref<72x768xf32, #tpu.memory_space<vmem>>) target(%dma_start3A_10 : memref<72x768xf32, #tpu.memory_space<hbm>>) target_semaphore(%run_scoped3A : memref<!tpu.dma_semaphore, #tpu.memory_space<semaphore_mem>>)
      %dma_wait3A_11 = arith.constant 0 : i32
      %dma_wait3A_12 = tpu.memref_slice %arg4[%mul3A_2, %dma_wait3A_11] : memref<2304x768xf32, #tpu.memory_space<hbm>> -> memref<72x768xf32, #tpu.memory_space<hbm>>
      %dma_wait3A_13 = arith.constant 0 : i32
      %dma_wait3A_14 = tpu.memref_slice %arg4[%mul3A_2, %dma_wait3A_13] : memref<2304x768xf32, #tpu.memory_space<hbm>> -> memref<72x768xf32, #tpu.memory_space<hbm>>
      tpu.wait_dma2 semaphore(%run_scoped3A : memref<!tpu.dma_semaphore, #tpu.memory_space<semaphore_mem>>) src(%arg6 : memref<72x768xf32, #tpu.memory_space<vmem>>) dst(%dma_wait3A_14 : memref<72x768xf32, #tpu.memory_space<hbm>>)
      tpu.yield
    }) : () -> ()
    return
  }
}

#map = affine_map<(d0, d1) -> (0, 0)>
#map1 = affine_map<(d0, d1) -> (0)>
module attributes {stable_mosaic.version = 14 : i64} {
  func.func @gk(%arg0: i32, %arg1: i32, %arg2: memref<2304x768xf32, #tpu.memory_space<hbm>>, %arg3: memref<1280xi32, #tpu.memory_space<hbm>>, %arg4: memref<1280x768xf32, #tpu.memory_space<hbm>>, %arg5: memref<40xi32, #tpu.memory_space<vmem>>, %arg6: memref<40x768xf32, #tpu.memory_space<vmem>>, %arg7: memref<!tpu.dma_semaphore, #tpu.memory_space<semaphore_mem>>) attributes {dimension_semantics = [#tpu.dimension_semantics<core_parallel>, #tpu.dimension_semantics<subcore_parallel>], iteration_bounds = array<i64: 2, 16>, scalar_prefetch = 0 : i64, scratch_operands = 3 : i64, tpu.core_type = #tpu.core_type<sc_vector_subcore>, window_params = [{transform_indices = #map}, {transform_indices = #map1}, {transform_indices = #map}]} {
    %mul3A = arith.constant 2 : i32
    %mul3A_0 = arith.muli %arg1, %mul3A : i32
    %add3A = arith.addi %mul3A_0, %arg0 : i32
    %mul3A_1 = arith.constant 40 : i32
    %mul3A_2 = arith.muli %add3A, %mul3A_1 : i32
    "tpu.region"() ({
      %run_scoped3A = tpu.sem_alloc : memref<!tpu.dma_semaphore, #tpu.memory_space<semaphore_mem>>
      %dma_start3A_7 = tpu.memref_slice %arg3[%mul3A_2] : memref<1280xi32, #tpu.memory_space<hbm>> -> memref<40xi32, #tpu.memory_space<hbm>>
      %dma_start3A_8 = tpu.memref_slice %arg3[%mul3A_2] : memref<1280xi32, #tpu.memory_space<hbm>> -> memref<40xi32, #tpu.memory_space<hbm>>
      tpu.enqueue_dma source(%dma_start3A_8 : memref<40xi32, #tpu.memory_space<hbm>>) target(%arg5 : memref<40xi32, #tpu.memory_space<vmem>>) target_semaphore(%run_scoped3A : memref<!tpu.dma_semaphore, #tpu.memory_space<semaphore_mem>>)
      %dma_wait3A_9 = tpu.memref_slice %arg3[%mul3A_2] : memref<1280xi32, #tpu.memory_space<hbm>> -> memref<40xi32, #tpu.memory_space<hbm>>
      %dma_wait3A_10 = tpu.memref_slice %arg3[%mul3A_2] : memref<1280xi32, #tpu.memory_space<hbm>> -> memref<40xi32, #tpu.memory_space<hbm>>
      tpu.wait_dma2 semaphore(%run_scoped3A : memref<!tpu.dma_semaphore, #tpu.memory_space<semaphore_mem>>) src(%dma_wait3A_10 : memref<40xi32, #tpu.memory_space<hbm>>) dst(%arg5 : memref<40xi32, #tpu.memory_space<vmem>>)
      tpu.yield
    }) : () -> ()
    %dma_start3A = arith.constant 0 : i32
    %dma_start3A_3 = arith.constant 0 : i32
    %dma_start3A_4 = tpu.memref_slice %arg2[%dma_start3A, %dma_start3A_3] : memref<2304x768xf32, #tpu.memory_space<hbm>> -> memref<2304x768xf32, #tpu.memory_space<hbm>>
    tpu.enqueue_indirect_dma source(%dma_start3A_4 : memref<2304x768xf32, #tpu.memory_space<hbm>>) target(%arg6 : memref<40x768xf32, #tpu.memory_space<vmem>>) offsets(%arg5 : memref<40xi32, #tpu.memory_space<vmem>>) semaphore(%arg7 : memref<!tpu.dma_semaphore, #tpu.memory_space<semaphore_mem>>)
    %dma_wait3A = arith.constant 0 : i32
    %dma_wait3A_5 = arith.constant 0 : i32
    %dma_wait3A_6 = tpu.memref_slice %arg2[%dma_wait3A, %dma_wait3A_5] : memref<2304x768xf32, #tpu.memory_space<hbm>> -> memref<2304x768xf32, #tpu.memory_space<hbm>>
    tpu.wait_indirect_dma semaphore(%arg7 : memref<!tpu.dma_semaphore, #tpu.memory_space<semaphore_mem>>) src(%dma_wait3A_6 : memref<2304x768xf32, #tpu.memory_space<hbm>>) dst(%arg6 : memref<40x768xf32, #tpu.memory_space<vmem>>)
    "tpu.region"() ({
      %run_scoped3A = tpu.sem_alloc : memref<!tpu.dma_semaphore, #tpu.memory_space<semaphore_mem>>
      %dma_start3A_7 = arith.constant 0 : i32
      %dma_start3A_8 = tpu.memref_slice %arg4[%mul3A_2, %dma_start3A_7] : memref<1280x768xf32, #tpu.memory_space<hbm>> -> memref<40x768xf32, #tpu.memory_space<hbm>>
      %dma_start3A_9 = arith.constant 0 : i32
      %dma_start3A_10 = tpu.memref_slice %arg4[%mul3A_2, %dma_start3A_9] : memref<1280x768xf32, #tpu.memory_space<hbm>> -> memref<40x768xf32, #tpu.memory_space<hbm>>
      tpu.enqueue_dma source(%arg6 : memref<40x768xf32, #tpu.memory_space<vmem>>) target(%dma_start3A_10 : memref<40x768xf32, #tpu.memory_space<hbm>>) target_semaphore(%run_scoped3A : memref<!tpu.dma_semaphore, #tpu.memory_space<semaphore_mem>>)
      %dma_wait3A_11 = arith.constant 0 : i32
      %dma_wait3A_12 = tpu.memref_slice %arg4[%mul3A_2, %dma_wait3A_11] : memref<1280x768xf32, #tpu.memory_space<hbm>> -> memref<40x768xf32, #tpu.memory_space<hbm>>
      %dma_wait3A_13 = arith.constant 0 : i32
      %dma_wait3A_14 = tpu.memref_slice %arg4[%mul3A_2, %dma_wait3A_13] : memref<1280x768xf32, #tpu.memory_space<hbm>> -> memref<40x768xf32, #tpu.memory_space<hbm>>
      tpu.wait_dma2 semaphore(%run_scoped3A : memref<!tpu.dma_semaphore, #tpu.memory_space<semaphore_mem>>) src(%arg6 : memref<40x768xf32, #tpu.memory_space<vmem>>) dst(%dma_wait3A_14 : memref<40x768xf32, #tpu.memory_space<hbm>>)
      tpu.yield
    }) : () -> ()
    return
  }
}

module attributes {stable_mosaic.version = 14 : i64} {
  func.func @_k_embed_qkv(%arg0: i32, %arg1: memref<192x1xi32, #tpu.memory_space<vmem>>, %arg2: memref<192x1xi32, #tpu.memory_space<vmem>>, %arg3: memref<65x768xf32, #tpu.memory_space<vmem>>, %arg4: memref<14x768xf32, #tpu.memory_space<vmem>>, %arg5: memref<1x768xf32, #tpu.memory_space<vmem>>, %arg6: memref<768x768xf32, #tpu.memory_space<vmem>>, %arg7: memref<768x768xf32, #tpu.memory_space<vmem>>, %arg8: memref<768x768xf32, #tpu.memory_space<vmem>>, %arg9: memref<192x768xf32, #tpu.memory_space<vmem>>, %arg10: memref<192x768xf32, #tpu.memory_space<vmem>>, %arg11: memref<192x768xf32, #tpu.memory_space<vmem>>, %arg12: memref<192x768xf32, #tpu.memory_space<vmem>>) attributes {dimension_semantics = [#tpu.dimension_semantics<arbitrary>], iteration_bounds = array<i64: 6>, scalar_prefetch = 0 : i64, scratch_operands = 0 : i64, tpu.core_type = #tpu.core_type<tc>, window_params = [{transform_indices = @transform_0, window_bounds = array<i64: 192, 1>}, {transform_indices = @transform_1, window_bounds = array<i64: 192, 1>}, {pipeline_mode = #tpu.pipeline_mode<synchronous>, transform_indices = @transform_2, window_bounds = array<i64: 65, 768>}, {pipeline_mode = #tpu.pipeline_mode<synchronous>, transform_indices = @transform_3, window_bounds = array<i64: 14, 768>}, {pipeline_mode = #tpu.pipeline_mode<synchronous>, transform_indices = @transform_4, window_bounds = array<i64: 1, 768>}, {pipeline_mode = #tpu.pipeline_mode<synchronous>, transform_indices = @transform_5, window_bounds = array<i64: 768, 768>}, {pipeline_mode = #tpu.pipeline_mode<synchronous>, transform_indices = @transform_6, window_bounds = array<i64: 768, 768>}, {pipeline_mode = #tpu.pipeline_mode<synchronous>, transform_indices = @transform_7, window_bounds = array<i64: 768, 768>}, {transform_indices = @transform_8, window_bounds = array<i64: 192, 768>}, {transform_indices = @transform_9, window_bounds = array<i64: 192, 768>}, {transform_indices = @transform_10, window_bounds = array<i64: 192, 768>}, {transform_indices = @transform_11, window_bounds = array<i64: 192, 768>}]} {
    %get3A = arith.constant 0 : index
    %get3A_0 = arith.constant 0 : index
    %get3A_1 = vector.load %arg1[%get3A, %get3A_0] : memref<192x1xi32, #tpu.memory_space<vmem>>, vector<192x1xi32>
    %get3A_2 = arith.constant 0 : index
    %get3A_3 = arith.constant 0 : index
    %get3A_4 = vector.load %arg2[%get3A_2, %get3A_3] : memref<192x1xi32, #tpu.memory_space<vmem>>, vector<192x1xi32>
    %iota3A = tpu.iota {dimensions = array<i32: 1>} : vector<192x65xi32>
    %eq3A = vector.broadcast %get3A_1 : vector<192x1xi32> to vector<192x65xi32>
    %eq3A_5 = arith.cmpi eq, %iota3A, %eq3A : vector<192x65xi32>
    %convert_element_type3A = arith.extui %eq3A_5 : vector<192x65xi1> to vector<192x65xi32>
    %convert_element_type3A_6 = arith.sitofp %convert_element_type3A : vector<192x65xi32> to vector<192x65xf32>
    %iota3A_7 = tpu.iota {dimensions = array<i32: 1>} : vector<192x14xi32>
    %eq3A_8 = vector.broadcast %get3A_4 : vector<192x1xi32> to vector<192x14xi32>
    %eq3A_9 = arith.cmpi eq, %iota3A_7, %eq3A_8 : vector<192x14xi32>
    %convert_element_type3A_10 = arith.extui %eq3A_9 : vector<192x14xi1> to vector<192x14xi32>
    %convert_element_type3A_11 = arith.sitofp %convert_element_type3A_10 : vector<192x14xi32> to vector<192x14xf32>
    %get3A_12 = arith.constant 0 : index
    %get3A_13 = arith.constant 0 : index
    %get3A_14 = vector.load %arg3[%get3A_12, %get3A_13] : memref<65x768xf32, #tpu.memory_space<vmem>>, vector<65x768xf32>
    %convert_element_type3A_15 = arith.truncf %convert_element_type3A_6 : vector<192x65xf32> to vector<192x65xbf16>
    %convert_element_type3A_16 = arith.truncf %get3A_14 : vector<65x768xf32> to vector<65x768xbf16>
    %convert_element_type3A_17 = arith.extf %convert_element_type3A_16 : vector<65x768xbf16> to vector<65x768xf32>
    %sub3A = arith.subf %get3A_14, %convert_element_type3A_17 : vector<65x768xf32>
    %convert_element_type3A_18 = arith.truncf %sub3A : vector<65x768xf32> to vector<65x768xbf16>
    %convert_element_type3A_19 = arith.extf %convert_element_type3A_18 : vector<65x768xbf16> to vector<65x768xf32>
    %sub3A_20 = arith.subf %sub3A, %convert_element_type3A_19 : vector<65x768xf32>
    %convert_element_type3A_21 = arith.truncf %sub3A_20 : vector<65x768xf32> to vector<65x768xbf16>
    %dot_general3A = arith.constant dense<0.000000e+00> : vector<192x768xf32>
    %dot_general3A_22 = tpu.matmul %convert_element_type3A_15, %convert_element_type3A_16, %dot_general3A {dimension_numbers = #tpu.dot_dimension_numbers<[1], [0], [0], [1], [0, 0, 1, 1], [], []>, transpose_lhs_hint = false} : vector<192x65xbf16>, vector<65x768xbf16>, vector<192x768xf32> -> vector<192x768xf32>
    %dot_general3A_23 = arith.constant dense<0.000000e+00> : vector<192x768xf32>
    %dot_general3A_24 = tpu.matmul %convert_element_type3A_15, %convert_element_type3A_18, %dot_general3A_23 {dimension_numbers = #tpu.dot_dimension_numbers<[1], [0], [0], [1], [0, 0, 1, 1], [], []>, transpose_lhs_hint = false} : vector<192x65xbf16>, vector<65x768xbf16>, vector<192x768xf32> -> vector<192x768xf32>
    %add3A = arith.addf %dot_general3A_22, %dot_general3A_24 : vector<192x768xf32>
    %dot_general3A_25 = arith.constant dense<0.000000e+00> : vector<192x768xf32>
    %dot_general3A_26 = tpu.matmul %convert_element_type3A_15, %convert_element_type3A_21, %dot_general3A_25 {dimension_numbers = #tpu.dot_dimension_numbers<[1], [0], [0], [1], [0, 0, 1, 1], [], []>, transpose_lhs_hint = false} : vector<192x65xbf16>, vector<65x768xbf16>, vector<192x768xf32> -> vector<192x768xf32>
    %add3A_27 = arith.addf %add3A, %dot_general3A_26 : vector<192x768xf32>
    %get3A_28 = arith.constant 0 : index
    %get3A_29 = arith.constant 0 : index
    %get3A_30 = vector.load %arg4[%get3A_28, %get3A_29] : memref<14x768xf32, #tpu.memory_space<vmem>>, vector<14x768xf32>
    %convert_element_type3A_31 = arith.truncf %convert_element_type3A_11 : vector<192x14xf32> to vector<192x14xbf16>
    %convert_element_type3A_32 = arith.truncf %get3A_30 : vector<14x768xf32> to vector<14x768xbf16>
    %convert_element_type3A_33 = arith.extf %convert_element_type3A_32 : vector<14x768xbf16> to vector<14x768xf32>
    %sub3A_34 = arith.subf %get3A_30, %convert_element_type3A_33 : vector<14x768xf32>
    %convert_element_type3A_35 = arith.truncf %sub3A_34 : vector<14x768xf32> to vector<14x768xbf16>
    %convert_element_type3A_36 = arith.extf %convert_element_type3A_35 : vector<14x768xbf16> to vector<14x768xf32>
    %sub3A_37 = arith.subf %sub3A_34, %convert_element_type3A_36 : vector<14x768xf32>
    %convert_element_type3A_38 = arith.truncf %sub3A_37 : vector<14x768xf32> to vector<14x768xbf16>
    %dot_general3A_39 = arith.constant dense<0.000000e+00> : vector<192x768xf32>
    %dot_general3A_40 = tpu.matmul %convert_element_type3A_31, %convert_element_type3A_32, %dot_general3A_39 {dimension_numbers = #tpu.dot_dimension_numbers<[1], [0], [0], [1], [0, 0, 1, 1], [], []>, transpose_lhs_hint = false} : vector<192x14xbf16>, vector<14x768xbf16>, vector<192x768xf32> -> vector<192x768xf32>
    %dot_general3A_41 = arith.constant dense<0.000000e+00> : vector<192x768xf32>
    %dot_general3A_42 = tpu.matmul %convert_element_type3A_31, %convert_element_type3A_35, %dot_general3A_41 {dimension_numbers = #tpu.dot_dimension_numbers<[1], [0], [0], [1], [0, 0, 1, 1], [], []>, transpose_lhs_hint = false} : vector<192x14xbf16>, vector<14x768xbf16>, vector<192x768xf32> -> vector<192x768xf32>
    %add3A_43 = arith.addf %dot_general3A_40, %dot_general3A_42 : vector<192x768xf32>
    %dot_general3A_44 = arith.constant dense<0.000000e+00> : vector<192x768xf32>
    %dot_general3A_45 = tpu.matmul %convert_element_type3A_31, %convert_element_type3A_38, %dot_general3A_44 {dimension_numbers = #tpu.dot_dimension_numbers<[1], [0], [0], [1], [0, 0, 1, 1], [], []>, transpose_lhs_hint = false} : vector<192x14xbf16>, vector<14x768xbf16>, vector<192x768xf32> -> vector<192x768xf32>
    %add3A_46 = arith.addf %add3A_43, %dot_general3A_45 : vector<192x768xf32>
    %add3A_47 = arith.addf %add3A_27, %add3A_46 : vector<192x768xf32>
    %swap3A = arith.constant 0 : index
    %swap3A_48 = arith.constant 0 : index
    %swap3A_49 = vector.load %arg9[%swap3A, %swap3A_48] : memref<192x768xf32, #tpu.memory_space<vmem>>, vector<192x768xf32>
    tpu.vector_store %arg9[%swap3A, %swap3A_48], %add3A_47 {strides = array<i32>} : memref<192x768xf32, #tpu.memory_space<vmem>>, vector<192x768xf32>,
    %get3A_50 = arith.constant 0 : index
    %get3A_51 = arith.constant 0 : index
    %get3A_52 = vector.load %arg5[%get3A_50, %get3A_51] : memref<1x768xf32, #tpu.memory_space<vmem>>, vector<1x768xf32>
    %mul3A = arith.mulf %add3A_47, %add3A_47 : vector<192x768xf32>
    %reduce_sum3A = arith.constant dense<0.000000e+00> : vector<192xf32>
    %reduce_sum3A_53 = vector.multi_reduction <add>, %mul3A, %reduce_sum3A [1] : vector<192x768xf32> to vector<192xf32>
    %broadcast_in_dim3A = vector.shape_cast %reduce_sum3A_53 : vector<192xf32> to vector<192x1xf32>
    %div3A = arith.constant 7.680000e+02 : f32
    %div3A_54 = vector.broadcast %div3A : f32 to vector<192x1xf32>
    %div3A_55 = arith.divf %broadcast_in_dim3A, %div3A_54 : vector<192x1xf32>
    %add3A_56 = arith.constant 9.99999997E-7 : f32
    %add3A_57 = vector.broadcast %add3A_56 : f32 to vector<192x1xf32>
    %add3A_58 = arith.addf %div3A_55, %add3A_57 : vector<192x1xf32>
    %rsqrt3A = math.rsqrt %add3A_58 : vector<192x1xf32>
    %mul3A_59 = vector.broadcast %rsqrt3A : vector<192x1xf32> to vector<192x768xf32>
    %mul3A_60 = arith.mulf %add3A_47, %mul3A_59 : vector<192x768xf32>
    %mul3A_61 = vector.broadcast %get3A_52 : vector<1x768xf32> to vector<192x768xf32>
    %mul3A_62 = arith.mulf %mul3A_60, %mul3A_61 : vector<192x768xf32>
    %get3A_63 = arith.constant 0 : index
    %get3A_64 = arith.constant 0 : index
    %get3A_65 = vector.load %arg6[%get3A_63, %get3A_64] : memref<768x768xf32, #tpu.memory_space<vmem>>, vector<768x768xf32>
    %convert_element_type3A_66 = arith.truncf %mul3A_62 : vector<192x768xf32> to vector<192x768xbf16>
    %convert_element_type3A_67 = arith.truncf %get3A_65 : vector<768x768xf32> to vector<768x768xbf16>
    %dot_general3A_68 = arith.constant dense<0.000000e+00> : vector<192x768xf32>
    %dot_general3A_69 = tpu.matmul %convert_element_type3A_66, %convert_element_type3A_67, %dot_general3A_68 {dimension_numbers = #tpu.dot_dimension_numbers<[1], [0], [0], [1], [0, 0, 1, 1], [], []>, transpose_lhs_hint = false} : vector<192x768xbf16>, vector<768x768xbf16>, vector<192x768xf32> -> vector<192x768xf32>
    %swap3A_70 = arith.constant 0 : index
    %swap3A_71 = arith.constant 0 : index
    %swap3A_72 = vector.load %arg10[%swap3A_70, %swap3A_71] : memref<192x768xf32, #tpu.memory_space<vmem>>, vector<192x768xf32>
    tpu.vector_store %arg10[%swap3A_70, %swap3A_71], %dot_general3A_69 {strides = array<i32>} : memref<192x768xf32, #tpu.memory_space<vmem>>, vector<192x768xf32>,
    %get3A_73 = arith.constant 0 : index
    %get3A_74 = arith.constant 0 : index
    %get3A_75 = vector.load %arg7[%get3A_73, %get3A_74] : memref<768x768xf32, #tpu.memory_space<vmem>>, vector<768x768xf32>
    %convert_element_type3A_76 = arith.truncf %mul3A_62 : vector<192x768xf32> to vector<192x768xbf16>
    %convert_element_type3A_77 = arith.truncf %get3A_75 : vector<768x768xf32> to vector<768x768xbf16>
    %dot_general3A_78 = arith.constant dense<0.000000e+00> : vector<192x768xf32>
    %dot_general3A_79 = tpu.matmul %convert_element_type3A_76, %convert_element_type3A_77, %dot_general3A_78 {dimension_numbers = #tpu.dot_dimension_numbers<[1], [0], [0], [1], [0, 0, 1, 1], [], []>, transpose_lhs_hint = false} : vector<192x768xbf16>, vector<768x768xbf16>, vector<192x768xf32> -> vector<192x768xf32>
    %swap3A_80 = arith.constant 0 : index
    %swap3A_81 = arith.constant 0 : index
    %swap3A_82 = vector.load %arg11[%swap3A_80, %swap3A_81] : memref<192x768xf32, #tpu.memory_space<vmem>>, vector<192x768xf32>
    tpu.vector_store %arg11[%swap3A_80, %swap3A_81], %dot_general3A_79 {strides = array<i32>} : memref<192x768xf32, #tpu.memory_space<vmem>>, vector<192x768xf32>,
    %get3A_83 = arith.constant 0 : index
    %get3A_84 = arith.constant 0 : index
    %get3A_85 = vector.load %arg8[%get3A_83, %get3A_84] : memref<768x768xf32, #tpu.memory_space<vmem>>, vector<768x768xf32>
    %convert_element_type3A_86 = arith.truncf %mul3A_62 : vector<192x768xf32> to vector<192x768xbf16>
    %convert_element_type3A_87 = arith.truncf %get3A_85 : vector<768x768xf32> to vector<768x768xbf16>
    %dot_general3A_88 = arith.constant dense<0.000000e+00> : vector<192x768xf32>
    %dot_general3A_89 = tpu.matmul %convert_element_type3A_86, %convert_element_type3A_87, %dot_general3A_88 {dimension_numbers = #tpu.dot_dimension_numbers<[1], [0], [0], [1], [0, 0, 1, 1], [], []>, transpose_lhs_hint = false} : vector<192x768xbf16>, vector<768x768xbf16>, vector<192x768xf32> -> vector<192x768xf32>
    %swap3A_90 = arith.constant 0 : index
    %swap3A_91 = arith.constant 0 : index
    %swap3A_92 = vector.load %arg12[%swap3A_90, %swap3A_91] : memref<192x768xf32, #tpu.memory_space<vmem>>, vector<192x768xf32>
    tpu.vector_store %arg12[%swap3A_90, %swap3A_91], %dot_general3A_89 {strides = array<i32>} : memref<192x768xf32, #tpu.memory_space<vmem>>, vector<192x768xf32>,
    return
  }
  func.func @transform_0(%arg0: i32) -> (i32, i32) {
    %c0_i32 = arith.constant 0 : i32
    %c0_i32_0 = arith.constant 0 : i32
    return %arg0, %c0_i32 : i32, i32
  }
  func.func @transform_1(%arg0: i32) -> (i32, i32) {
    %c0_i32 = arith.constant 0 : i32
    %c0_i32_0 = arith.constant 0 : i32
    return %arg0, %c0_i32 : i32, i32
  }
  func.func @transform_2(%arg0: i32) -> (i32, i32) {
    %c0_i32 = arith.constant 0 : i32
    %c0_i32_0 = arith.constant 0 : i32
    %c0_i32_1 = arith.constant 0 : i32
    return %c0_i32, %c0_i32_0 : i32, i32
  }
  func.func @transform_3(%arg0: i32) -> (i32, i32) {
    %c0_i32 = arith.constant 0 : i32
    %c0_i32_0 = arith.constant 0 : i32
    %c0_i32_1 = arith.constant 0 : i32
    return %c0_i32, %c0_i32_0 : i32, i32
  }
  func.func @transform_4(%arg0: i32) -> (i32, i32) {
    %c0_i32 = arith.constant 0 : i32
    %c0_i32_0 = arith.constant 0 : i32
    %c0_i32_1 = arith.constant 0 : i32
    return %c0_i32, %c0_i32_0 : i32, i32
  }
  func.func @transform_5(%arg0: i32) -> (i32, i32) {
    %c0_i32 = arith.constant 0 : i32
    %c0_i32_0 = arith.constant 0 : i32
    %c0_i32_1 = arith.constant 0 : i32
    return %c0_i32, %c0_i32_0 : i32, i32
  }
  func.func @transform_6(%arg0: i32) -> (i32, i32) {
    %c0_i32 = arith.constant 0 : i32
    %c0_i32_0 = arith.constant 0 : i32
    %c0_i32_1 = arith.constant 0 : i32
    return %c0_i32, %c0_i32_0 : i32, i32
  }
  func.func @transform_7(%arg0: i32) -> (i32, i32) {
    %c0_i32 = arith.constant 0 : i32
    %c0_i32_0 = arith.constant 0 : i32
    %c0_i32_1 = arith.constant 0 : i32
    return %c0_i32, %c0_i32_0 : i32, i32
  }
  func.func @transform_8(%arg0: i32) -> (i32, i32) {
    %c0_i32 = arith.constant 0 : i32
    %c0_i32_0 = arith.constant 0 : i32
    return %arg0, %c0_i32 : i32, i32
  }
  func.func @transform_9(%arg0: i32) -> (i32, i32) {
    %c0_i32 = arith.constant 0 : i32
    %c0_i32_0 = arith.constant 0 : i32
    return %arg0, %c0_i32 : i32, i32
  }
  func.func @transform_10(%arg0: i32) -> (i32, i32) {
    %c0_i32 = arith.constant 0 : i32
    %c0_i32_0 = arith.constant 0 : i32
    return %arg0, %c0_i32 : i32, i32
  }
  func.func @transform_11(%arg0: i32) -> (i32, i32) {
    %c0_i32 = arith.constant 0 : i32
    %c0_i32_0 = arith.constant 0 : i32
    return %arg0, %c0_i32 : i32, i32
  }
}

module attributes {stable_mosaic.version = 14 : i64} {
  func.func @_k_attn(%arg0: i32, %arg1: i32, %arg2: memref<1x72x128xf32, #tpu.memory_space<vmem>>, %arg3: memref<1x72x128xf32, #tpu.memory_space<vmem>>, %arg4: memref<1x72x128xf32, #tpu.memory_space<vmem>>, %arg5: memref<1x72x128xf32, #tpu.memory_space<vmem>>) attributes {dimension_semantics = [#tpu.dimension_semantics<arbitrary>, #tpu.dimension_semantics<arbitrary>], iteration_bounds = array<i64: 16, 6>, scalar_prefetch = 0 : i64, scratch_operands = 0 : i64, tpu.core_type = #tpu.core_type<tc>, window_params = [{transform_indices = @transform_0, window_bounds = array<i64: 1, 72, 128>}, {transform_indices = @transform_1, window_bounds = array<i64: 1, 72, 128>}, {transform_indices = @transform_2, window_bounds = array<i64: 1, 72, 128>}, {transform_indices = @transform_3, window_bounds = array<i64: 1, 72, 128>}]} {
    %get3A = arith.constant 0 : index
    %get3A_0 = arith.constant 0 : index
    %get3A_1 = arith.constant 0 : index
    %get3A_2 = vector.load %arg2[%get3A, %get3A_0, %get3A_1] : memref<1x72x128xf32, #tpu.memory_space<vmem>>, vector<1x72x128xf32>
    %get3A_3 = vector.shape_cast %get3A_2 : vector<1x72x128xf32> to vector<72x128xf32>
    %get3A_4 = arith.constant 0 : index
    %get3A_5 = arith.constant 0 : index
    %get3A_6 = arith.constant 0 : index
    %get3A_7 = vector.load %arg3[%get3A_4, %get3A_5, %get3A_6] : memref<1x72x128xf32, #tpu.memory_space<vmem>>, vector<1x72x128xf32>
    %get3A_8 = vector.shape_cast %get3A_7 : vector<1x72x128xf32> to vector<72x128xf32>
    %get3A_9 = arith.constant 0 : index
    %get3A_10 = arith.constant 0 : index
    %get3A_11 = arith.constant 0 : index
    %get3A_12 = vector.load %arg4[%get3A_9, %get3A_10, %get3A_11] : memref<1x72x128xf32, #tpu.memory_space<vmem>>, vector<1x72x128xf32>
    %get3A_13 = vector.shape_cast %get3A_12 : vector<1x72x128xf32> to vector<72x128xf32>
    %iota3A = tpu.iota {dimensions = array<i32: 1>} : vector<72x72xi32>
    %lt3A = arith.constant 65 : i32
    %lt3A_14 = vector.broadcast %lt3A : i32 to vector<72x72xi32>
    %lt3A_15 = arith.cmpi slt, %iota3A, %lt3A_14 : vector<72x72xi32>
    %slice3A = vector.extract_strided_slice %get3A_3 {offsets = [0, 0], sizes = [72, 64], strides = [1, 1]} : vector<72x128xf32> to vector<72x64xf32>
    %slice3A_16 = vector.extract_strided_slice %get3A_8 {offsets = [0, 0], sizes = [72, 64], strides = [1, 1]} : vector<72x128xf32> to vector<72x64xf32>
    %slice3A_17 = vector.extract_strided_slice %get3A_13 {offsets = [0, 0], sizes = [72, 64], strides = [1, 1]} : vector<72x128xf32> to vector<72x64xf32>
    %convert_element_type3A = arith.truncf %slice3A : vector<72x64xf32> to vector<72x64xbf16>
    %convert_element_type3A_18 = arith.truncf %slice3A_16 : vector<72x64xf32> to vector<72x64xbf16>
    %dot_general3A = arith.constant dense<0.000000e+00> : vector<72x72xf32>
    %dot_general3A_19 = tpu.matmul %convert_element_type3A, %convert_element_type3A_18, %dot_general3A {dimension_numbers = #tpu.dot_dimension_numbers<[1], [1], [0], [0], [0, 0, 1, 0], [], []>, transpose_lhs_hint = false} : vector<72x64xbf16>, vector<72x64xbf16>, vector<72x72xf32> -> vector<72x72xf32>
    %mul3A = arith.constant 1.250000e-01 : f32
    %mul3A_20 = vector.broadcast %mul3A : f32 to vector<72x72xf32>
    %mul3A_21 = arith.mulf %dot_general3A_19, %mul3A_20 : vector<72x72xf32>
    %jit3A = arith.constant -1.000000e+30 : f32
    %broadcast_in_dim3A = vector.broadcast %jit3A : f32 to vector<72x72xf32>
    %select_n3A = arith.select %lt3A_15, %mul3A_21, %broadcast_in_dim3A : vector<72x72xi1>, vector<72x72xf32>
    %reduce_max3A = arith.constant dense<0xFF800000> : vector<72xf32>
    %reduce_max3A_22 = vector.multi_reduction <maximumf>, %select_n3A, %reduce_max3A [1] : vector<72x72xf32> to vector<72xf32>
    %broadcast_in_dim3A_23 = vector.shape_cast %reduce_max3A_22 : vector<72xf32> to vector<72x1xf32>
    %sub3A = vector.broadcast %broadcast_in_dim3A_23 : vector<72x1xf32> to vector<72x72xf32>
    %sub3A_24 = arith.subf %select_n3A, %sub3A : vector<72x72xf32>
    %exp3A = math.exp %sub3A_24 : vector<72x72xf32>
    %reduce_sum3A = arith.constant dense<0.000000e+00> : vector<72xf32>
    %reduce_sum3A_25 = vector.multi_reduction <add>, %exp3A, %reduce_sum3A [1] : vector<72x72xf32> to vector<72xf32>
    %broadcast_in_dim3A_26 = vector.shape_cast %reduce_sum3A_25 : vector<72xf32> to vector<72x1xf32>
    %div3A = vector.broadcast %broadcast_in_dim3A_26 : vector<72x1xf32> to vector<72x72xf32>
    %div3A_27 = arith.divf %exp3A, %div3A : vector<72x72xf32>
    %convert_element_type3A_28 = arith.truncf %div3A_27 : vector<72x72xf32> to vector<72x72xbf16>
    %convert_element_type3A_29 = arith.truncf %slice3A_17 : vector<72x64xf32> to vector<72x64xbf16>
    %dot_general3A_30 = arith.constant dense<0.000000e+00> : vector<72x64xf32>
    %dot_general3A_31 = tpu.matmul %convert_element_type3A_28, %convert_element_type3A_29, %dot_general3A_30 {dimension_numbers = #tpu.dot_dimension_numbers<[1], [0], [0], [1], [0, 0, 1, 1], [], []>, transpose_lhs_hint = false} : vector<72x72xbf16>, vector<72x64xbf16>, vector<72x64xf32> -> vector<72x64xf32>
    %slice3A_32 = vector.extract_strided_slice %get3A_3 {offsets = [0, 64], sizes = [72, 64], strides = [1, 1]} : vector<72x128xf32> to vector<72x64xf32>
    %slice3A_33 = vector.extract_strided_slice %get3A_8 {offsets = [0, 64], sizes = [72, 64], strides = [1, 1]} : vector<72x128xf32> to vector<72x64xf32>
    %slice3A_34 = vector.extract_strided_slice %get3A_13 {offsets = [0, 64], sizes = [72, 64], strides = [1, 1]} : vector<72x128xf32> to vector<72x64xf32>
    %convert_element_type3A_35 = arith.truncf %slice3A_32 : vector<72x64xf32> to vector<72x64xbf16>
    %convert_element_type3A_36 = arith.truncf %slice3A_33 : vector<72x64xf32> to vector<72x64xbf16>
    %dot_general3A_37 = arith.constant dense<0.000000e+00> : vector<72x72xf32>
    %dot_general3A_38 = tpu.matmul %convert_element_type3A_35, %convert_element_type3A_36, %dot_general3A_37 {dimension_numbers = #tpu.dot_dimension_numbers<[1], [1], [0], [0], [0, 0, 1, 0], [], []>, transpose_lhs_hint = false} : vector<72x64xbf16>, vector<72x64xbf16>, vector<72x72xf32> -> vector<72x72xf32>
    %mul3A_39 = arith.constant 1.250000e-01 : f32
    %mul3A_40 = vector.broadcast %mul3A_39 : f32 to vector<72x72xf32>
    %mul3A_41 = arith.mulf %dot_general3A_38, %mul3A_40 : vector<72x72xf32>
    %jit3A_42 = arith.constant -1.000000e+30 : f32
    %broadcast_in_dim3A_43 = vector.broadcast %jit3A_42 : f32 to vector<72x72xf32>
    %select_n3A_44 = arith.select %lt3A_15, %mul3A_41, %broadcast_in_dim3A_43 : vector<72x72xi1>, vector<72x72xf32>
    %reduce_max3A_45 = arith.constant dense<0xFF800000> : vector<72xf32>
    %reduce_max3A_46 = vector.multi_reduction <maximumf>, %select_n3A_44, %reduce_max3A_45 [1] : vector<72x72xf32> to vector<72xf32>
    %broadcast_in_dim3A_47 = vector.shape_cast %reduce_max3A_46 : vector<72xf32> to vector<72x1xf32>
    %sub3A_48 = vector.broadcast %broadcast_in_dim3A_47 : vector<72x1xf32> to vector<72x72xf32>
    %sub3A_49 = arith.subf %select_n3A_44, %sub3A_48 : vector<72x72xf32>
    %exp3A_50 = math.exp %sub3A_49 : vector<72x72xf32>
    %reduce_sum3A_51 = arith.constant dense<0.000000e+00> : vector<72xf32>
    %reduce_sum3A_52 = vector.multi_reduction <add>, %exp3A_50, %reduce_sum3A_51 [1] : vector<72x72xf32> to vector<72xf32>
    %broadcast_in_dim3A_53 = vector.shape_cast %reduce_sum3A_52 : vector<72xf32> to vector<72x1xf32>
    %div3A_54 = vector.broadcast %broadcast_in_dim3A_53 : vector<72x1xf32> to vector<72x72xf32>
    %div3A_55 = arith.divf %exp3A_50, %div3A_54 : vector<72x72xf32>
    %convert_element_type3A_56 = arith.truncf %div3A_55 : vector<72x72xf32> to vector<72x72xbf16>
    %convert_element_type3A_57 = arith.truncf %slice3A_34 : vector<72x64xf32> to vector<72x64xbf16>
    %dot_general3A_58 = arith.constant dense<0.000000e+00> : vector<72x64xf32>
    %dot_general3A_59 = tpu.matmul %convert_element_type3A_56, %convert_element_type3A_57, %dot_general3A_58 {dimension_numbers = #tpu.dot_dimension_numbers<[1], [0], [0], [1], [0, 0, 1, 1], [], []>, transpose_lhs_hint = false} : vector<72x72xbf16>, vector<72x64xbf16>, vector<72x64xf32> -> vector<72x64xf32>
    %concatenate3A = tpu.concatenate %dot_general3A_31, %dot_general3A_59 in 1 : vector<72x64xf32>, vector<72x64xf32> -> vector<72x128xf32>
    %swap3A = arith.constant 0 : index
    %swap3A_60 = arith.constant 0 : index
    %swap3A_61 = arith.constant 0 : index
    %swap3A_62 = vector.load %arg5[%swap3A, %swap3A_60, %swap3A_61] : memref<1x72x128xf32, #tpu.memory_space<vmem>>, vector<1x72x128xf32>
    %swap3A_63 = vector.shape_cast %swap3A_62 : vector<1x72x128xf32> to vector<72x128xf32>
    %swap3A_64 = vector.shape_cast %concatenate3A : vector<72x128xf32> to vector<1x72x128xf32>
    tpu.vector_store %arg5[%swap3A, %swap3A_60, %swap3A_61], %swap3A_64 {strides = array<i32>} : memref<1x72x128xf32, #tpu.memory_space<vmem>>, vector<1x72x128xf32>,
    return
  }
  func.func @transform_0(%arg0: i32, %arg1: i32) -> (i32, i32, i32) {
    %c0_i32 = arith.constant 0 : i32
    %c0_i32_0 = arith.constant 0 : i32
    return %arg0, %c0_i32, %arg1 : i32, i32, i32
  }
  func.func @transform_1(%arg0: i32, %arg1: i32) -> (i32, i32, i32) {
    %c0_i32 = arith.constant 0 : i32
    %c0_i32_0 = arith.constant 0 : i32
    return %arg0, %c0_i32, %arg1 : i32, i32, i32
  }
  func.func @transform_2(%arg0: i32, %arg1: i32) -> (i32, i32, i32) {
    %c0_i32 = arith.constant 0 : i32
    %c0_i32_0 = arith.constant 0 : i32
    return %arg0, %c0_i32, %arg1 : i32, i32, i32
  }
  func.func @transform_3(%arg0: i32, %arg1: i32) -> (i32, i32, i32) {
    %c0_i32 = arith.constant 0 : i32
    %c0_i32_0 = arith.constant 0 : i32
    return %arg0, %c0_i32, %arg1 : i32, i32, i32
  }
}

module attributes {stable_mosaic.version = 14 : i64} {
  func.func @_k_ffn_qkv(%arg0: i32, %arg1: memref<192x768xf32, #tpu.memory_space<vmem>>, %arg2: memref<192x768xf32, #tpu.memory_space<vmem>>, %arg3: memref<768x768xf32, #tpu.memory_space<vmem>>, %arg4: memref<1x768xf32, #tpu.memory_space<vmem>>, %arg5: memref<768x2048xf32, #tpu.memory_space<vmem>>, %arg6: memref<2048x768xf32, #tpu.memory_space<vmem>>, %arg7: memref<1x768xf32, #tpu.memory_space<vmem>>, %arg8: memref<768x768xf32, #tpu.memory_space<vmem>>, %arg9: memref<768x768xf32, #tpu.memory_space<vmem>>, %arg10: memref<768x768xf32, #tpu.memory_space<vmem>>, %arg11: memref<192x768xf32, #tpu.memory_space<vmem>>, %arg12: memref<192x768xf32, #tpu.memory_space<vmem>>, %arg13: memref<192x768xf32, #tpu.memory_space<vmem>>, %arg14: memref<192x768xf32, #tpu.memory_space<vmem>>) attributes {dimension_semantics = [#tpu.dimension_semantics<arbitrary>], iteration_bounds = array<i64: 6>, scalar_prefetch = 0 : i64, scratch_operands = 0 : i64, tpu.core_type = #tpu.core_type<tc>, window_params = [{transform_indices = @transform_0, window_bounds = array<i64: 192, 768>}, {transform_indices = @transform_1, window_bounds = array<i64: 192, 768>}, {pipeline_mode = #tpu.pipeline_mode<synchronous>, transform_indices = @transform_2, window_bounds = array<i64: 768, 768>}, {pipeline_mode = #tpu.pipeline_mode<synchronous>, transform_indices = @transform_3, window_bounds = array<i64: 1, 768>}, {pipeline_mode = #tpu.pipeline_mode<synchronous>, transform_indices = @transform_4, window_bounds = array<i64: 768, 2048>}, {pipeline_mode = #tpu.pipeline_mode<synchronous>, transform_indices = @transform_5, window_bounds = array<i64: 2048, 768>}, {pipeline_mode = #tpu.pipeline_mode<synchronous>, transform_indices = @transform_6, window_bounds = array<i64: 1, 768>}, {pipeline_mode = #tpu.pipeline_mode<synchronous>, transform_indices = @transform_7, window_bounds = array<i64: 768, 768>}, {pipeline_mode = #tpu.pipeline_mode<synchronous>, transform_indices = @transform_8, window_bounds = array<i64: 768, 768>}, {pipeline_mode = #tpu.pipeline_mode<synchronous>, transform_indices = @transform_9, window_bounds = array<i64: 768, 768>}, {transform_indices = @transform_10, window_bounds = array<i64: 192, 768>}, {transform_indices = @transform_11, window_bounds = array<i64: 192, 768>}, {transform_indices = @transform_12, window_bounds = array<i64: 192, 768>}, {transform_indices = @transform_13, window_bounds = array<i64: 192, 768>}]} {
    %get3A = arith.constant 0 : index
    %get3A_0 = arith.constant 0 : index
    %get3A_1 = vector.load %arg2[%get3A, %get3A_0] : memref<192x768xf32, #tpu.memory_space<vmem>>, vector<192x768xf32>
    %get3A_2 = arith.constant 0 : index
    %get3A_3 = arith.constant 0 : index
    %get3A_4 = vector.load %arg1[%get3A_2, %get3A_3] : memref<192x768xf32, #tpu.memory_space<vmem>>, vector<192x768xf32>
    %get3A_5 = arith.constant 0 : index
    %get3A_6 = arith.constant 0 : index
    %get3A_7 = vector.load %arg3[%get3A_5, %get3A_6] : memref<768x768xf32, #tpu.memory_space<vmem>>, vector<768x768xf32>
    %convert_element_type3A = arith.truncf %get3A_4 : vector<192x768xf32> to vector<192x768xbf16>
    %convert_element_type3A_8 = arith.truncf %get3A_7 : vector<768x768xf32> to vector<768x768xbf16>
    %dot_general3A = arith.constant dense<0.000000e+00> : vector<192x768xf32>
    %dot_general3A_9 = tpu.matmul %convert_element_type3A, %convert_element_type3A_8, %dot_general3A {dimension_numbers = #tpu.dot_dimension_numbers<[1], [0], [0], [1], [0, 0, 1, 1], [], []>, transpose_lhs_hint = false} : vector<192x768xbf16>, vector<768x768xbf16>, vector<192x768xf32> -> vector<192x768xf32>
    %add3A = arith.addf %get3A_1, %dot_general3A_9 : vector<192x768xf32>
    %get3A_10 = arith.constant 0 : index
    %get3A_11 = arith.constant 0 : index
    %get3A_12 = vector.load %arg4[%get3A_10, %get3A_11] : memref<1x768xf32, #tpu.memory_space<vmem>>, vector<1x768xf32>
    %mul3A = arith.mulf %add3A, %add3A : vector<192x768xf32>
    %reduce_sum3A = arith.constant dense<0.000000e+00> : vector<192xf32>
    %reduce_sum3A_13 = vector.multi_reduction <add>, %mul3A, %reduce_sum3A [1] : vector<192x768xf32> to vector<192xf32>
    %broadcast_in_dim3A = vector.shape_cast %reduce_sum3A_13 : vector<192xf32> to vector<192x1xf32>
    %div3A = arith.constant 7.680000e+02 : f32
    %div3A_14 = vector.broadcast %div3A : f32 to vector<192x1xf32>
    %div3A_15 = arith.divf %broadcast_in_dim3A, %div3A_14 : vector<192x1xf32>
    %add3A_16 = arith.constant 9.99999997E-7 : f32
    %add3A_17 = vector.broadcast %add3A_16 : f32 to vector<192x1xf32>
    %add3A_18 = arith.addf %div3A_15, %add3A_17 : vector<192x1xf32>
    %rsqrt3A = math.rsqrt %add3A_18 : vector<192x1xf32>
    %mul3A_19 = vector.broadcast %rsqrt3A : vector<192x1xf32> to vector<192x768xf32>
    %mul3A_20 = arith.mulf %add3A, %mul3A_19 : vector<192x768xf32>
    %mul3A_21 = vector.broadcast %get3A_12 : vector<1x768xf32> to vector<192x768xf32>
    %mul3A_22 = arith.mulf %mul3A_20, %mul3A_21 : vector<192x768xf32>
    %get3A_23 = arith.constant 0 : index
    %get3A_24 = arith.constant 0 : index
    %get3A_25 = vector.load %arg5[%get3A_23, %get3A_24] : memref<768x2048xf32, #tpu.memory_space<vmem>>, vector<768x2048xf32>
    %convert_element_type3A_26 = arith.truncf %mul3A_22 : vector<192x768xf32> to vector<192x768xbf16>
    %convert_element_type3A_27 = arith.truncf %get3A_25 : vector<768x2048xf32> to vector<768x2048xbf16>
    %dot_general3A_28 = arith.constant dense<0.000000e+00> : vector<192x2048xf32>
    %dot_general3A_29 = tpu.matmul %convert_element_type3A_26, %convert_element_type3A_27, %dot_general3A_28 {dimension_numbers = #tpu.dot_dimension_numbers<[1], [0], [0], [1], [0, 0, 1, 1], [], []>, transpose_lhs_hint = false} : vector<192x768xbf16>, vector<768x2048xbf16>, vector<192x2048xf32> -> vector<192x2048xf32>
    %max3A = arith.constant 0.000000e+00 : f32
    %max3A_30 = vector.broadcast %max3A : f32 to vector<192x2048xf32>
    %max3A_31 = arith.maximumf %dot_general3A_29, %max3A_30 : vector<192x2048xf32>
    %get3A_32 = arith.constant 0 : index
    %get3A_33 = arith.constant 0 : index
    %get3A_34 = vector.load %arg6[%get3A_32, %get3A_33] : memref<2048x768xf32, #tpu.memory_space<vmem>>, vector<2048x768xf32>
    %convert_element_type3A_35 = arith.truncf %max3A_31 : vector<192x2048xf32> to vector<192x2048xbf16>
    %convert_element_type3A_36 = arith.truncf %get3A_34 : vector<2048x768xf32> to vector<2048x768xbf16>
    %dot_general3A_37 = arith.constant dense<0.000000e+00> : vector<192x768xf32>
    %dot_general3A_38 = tpu.matmul %convert_element_type3A_35, %convert_element_type3A_36, %dot_general3A_37 {dimension_numbers = #tpu.dot_dimension_numbers<[1], [0], [0], [1], [0, 0, 1, 1], [], []>, transpose_lhs_hint = false} : vector<192x2048xbf16>, vector<2048x768xbf16>, vector<192x768xf32> -> vector<192x768xf32>
    %add3A_39 = arith.addf %add3A, %dot_general3A_38 : vector<192x768xf32>
    %swap3A = arith.constant 0 : index
    %swap3A_40 = arith.constant 0 : index
    %swap3A_41 = vector.load %arg11[%swap3A, %swap3A_40] : memref<192x768xf32, #tpu.memory_space<vmem>>, vector<192x768xf32>
    tpu.vector_store %arg11[%swap3A, %swap3A_40], %add3A_39 {strides = array<i32>} : memref<192x768xf32, #tpu.memory_space<vmem>>, vector<192x768xf32>,
    %get3A_42 = arith.constant 0 : index
    %get3A_43 = arith.constant 0 : index
    %get3A_44 = vector.load %arg7[%get3A_42, %get3A_43] : memref<1x768xf32, #tpu.memory_space<vmem>>, vector<1x768xf32>
    %mul3A_45 = arith.mulf %add3A_39, %add3A_39 : vector<192x768xf32>
    %reduce_sum3A_46 = arith.constant dense<0.000000e+00> : vector<192xf32>
    %reduce_sum3A_47 = vector.multi_reduction <add>, %mul3A_45, %reduce_sum3A_46 [1] : vector<192x768xf32> to vector<192xf32>
    %broadcast_in_dim3A_48 = vector.shape_cast %reduce_sum3A_47 : vector<192xf32> to vector<192x1xf32>
    %div3A_49 = arith.constant 7.680000e+02 : f32
    %div3A_50 = vector.broadcast %div3A_49 : f32 to vector<192x1xf32>
    %div3A_51 = arith.divf %broadcast_in_dim3A_48, %div3A_50 : vector<192x1xf32>
    %add3A_52 = arith.constant 9.99999997E-7 : f32
    %add3A_53 = vector.broadcast %add3A_52 : f32 to vector<192x1xf32>
    %add3A_54 = arith.addf %div3A_51, %add3A_53 : vector<192x1xf32>
    %rsqrt3A_55 = math.rsqrt %add3A_54 : vector<192x1xf32>
    %mul3A_56 = vector.broadcast %rsqrt3A_55 : vector<192x1xf32> to vector<192x768xf32>
    %mul3A_57 = arith.mulf %add3A_39, %mul3A_56 : vector<192x768xf32>
    %mul3A_58 = vector.broadcast %get3A_44 : vector<1x768xf32> to vector<192x768xf32>
    %mul3A_59 = arith.mulf %mul3A_57, %mul3A_58 : vector<192x768xf32>
    %get3A_60 = arith.constant 0 : index
    %get3A_61 = arith.constant 0 : index
    %get3A_62 = vector.load %arg8[%get3A_60, %get3A_61] : memref<768x768xf32, #tpu.memory_space<vmem>>, vector<768x768xf32>
    %convert_element_type3A_63 = arith.truncf %mul3A_59 : vector<192x768xf32> to vector<192x768xbf16>
    %convert_element_type3A_64 = arith.truncf %get3A_62 : vector<768x768xf32> to vector<768x768xbf16>
    %dot_general3A_65 = arith.constant dense<0.000000e+00> : vector<192x768xf32>
    %dot_general3A_66 = tpu.matmul %convert_element_type3A_63, %convert_element_type3A_64, %dot_general3A_65 {dimension_numbers = #tpu.dot_dimension_numbers<[1], [0], [0], [1], [0, 0, 1, 1], [], []>, transpose_lhs_hint = false} : vector<192x768xbf16>, vector<768x768xbf16>, vector<192x768xf32> -> vector<192x768xf32>
    %swap3A_67 = arith.constant 0 : index
    %swap3A_68 = arith.constant 0 : index
    %swap3A_69 = vector.load %arg12[%swap3A_67, %swap3A_68] : memref<192x768xf32, #tpu.memory_space<vmem>>, vector<192x768xf32>
    tpu.vector_store %arg12[%swap3A_67, %swap3A_68], %dot_general3A_66 {strides = array<i32>} : memref<192x768xf32, #tpu.memory_space<vmem>>, vector<192x768xf32>,
    %get3A_70 = arith.constant 0 : index
    %get3A_71 = arith.constant 0 : index
    %get3A_72 = vector.load %arg9[%get3A_70, %get3A_71] : memref<768x768xf32, #tpu.memory_space<vmem>>, vector<768x768xf32>
    %convert_element_type3A_73 = arith.truncf %mul3A_59 : vector<192x768xf32> to vector<192x768xbf16>
    %convert_element_type3A_74 = arith.truncf %get3A_72 : vector<768x768xf32> to vector<768x768xbf16>
    %dot_general3A_75 = arith.constant dense<0.000000e+00> : vector<192x768xf32>
    %dot_general3A_76 = tpu.matmul %convert_element_type3A_73, %convert_element_type3A_74, %dot_general3A_75 {dimension_numbers = #tpu.dot_dimension_numbers<[1], [0], [0], [1], [0, 0, 1, 1], [], []>, transpose_lhs_hint = false} : vector<192x768xbf16>, vector<768x768xbf16>, vector<192x768xf32> -> vector<192x768xf32>
    %swap3A_77 = arith.constant 0 : index
    %swap3A_78 = arith.constant 0 : index
    %swap3A_79 = vector.load %arg13[%swap3A_77, %swap3A_78] : memref<192x768xf32, #tpu.memory_space<vmem>>, vector<192x768xf32>
    tpu.vector_store %arg13[%swap3A_77, %swap3A_78], %dot_general3A_76 {strides = array<i32>} : memref<192x768xf32, #tpu.memory_space<vmem>>, vector<192x768xf32>,
    %get3A_80 = arith.constant 0 : index
    %get3A_81 = arith.constant 0 : index
    %get3A_82 = vector.load %arg10[%get3A_80, %get3A_81] : memref<768x768xf32, #tpu.memory_space<vmem>>, vector<768x768xf32>
    %convert_element_type3A_83 = arith.truncf %mul3A_59 : vector<192x768xf32> to vector<192x768xbf16>
    %convert_element_type3A_84 = arith.truncf %get3A_82 : vector<768x768xf32> to vector<768x768xbf16>
    %dot_general3A_85 = arith.constant dense<0.000000e+00> : vector<192x768xf32>
    %dot_general3A_86 = tpu.matmul %convert_element_type3A_83, %convert_element_type3A_84, %dot_general3A_85 {dimension_numbers = #tpu.dot_dimension_numbers<[1], [0], [0], [1], [0, 0, 1, 1], [], []>, transpose_lhs_hint = false} : vector<192x768xbf16>, vector<768x768xbf16>, vector<192x768xf32> -> vector<192x768xf32>
    %swap3A_87 = arith.constant 0 : index
    %swap3A_88 = arith.constant 0 : index
    %swap3A_89 = vector.load %arg14[%swap3A_87, %swap3A_88] : memref<192x768xf32, #tpu.memory_space<vmem>>, vector<192x768xf32>
    tpu.vector_store %arg14[%swap3A_87, %swap3A_88], %dot_general3A_86 {strides = array<i32>} : memref<192x768xf32, #tpu.memory_space<vmem>>, vector<192x768xf32>,
    return
  }
  func.func @transform_0(%arg0: i32) -> (i32, i32) {
    %c0_i32 = arith.constant 0 : i32
    %c0_i32_0 = arith.constant 0 : i32
    return %arg0, %c0_i32 : i32, i32
  }
  func.func @transform_1(%arg0: i32) -> (i32, i32) {
    %c0_i32 = arith.constant 0 : i32
    %c0_i32_0 = arith.constant 0 : i32
    return %arg0, %c0_i32 : i32, i32
  }
  func.func @transform_2(%arg0: i32) -> (i32, i32) {
    %c0_i32 = arith.constant 0 : i32
    %c0_i32_0 = arith.constant 0 : i32
    %c0_i32_1 = arith.constant 0 : i32
    return %c0_i32, %c0_i32_0 : i32, i32
  }
  func.func @transform_3(%arg0: i32) -> (i32, i32) {
    %c0_i32 = arith.constant 0 : i32
    %c0_i32_0 = arith.constant 0 : i32
    %c0_i32_1 = arith.constant 0 : i32
    return %c0_i32, %c0_i32_0 : i32, i32
  }
  func.func @transform_4(%arg0: i32) -> (i32, i32) {
    %c0_i32 = arith.constant 0 : i32
    %c0_i32_0 = arith.constant 0 : i32
    %c0_i32_1 = arith.constant 0 : i32
    return %c0_i32, %c0_i32_0 : i32, i32
  }
  func.func @transform_5(%arg0: i32) -> (i32, i32) {
    %c0_i32 = arith.constant 0 : i32
    %c0_i32_0 = arith.constant 0 : i32
    %c0_i32_1 = arith.constant 0 : i32
    return %c0_i32, %c0_i32_0 : i32, i32
  }
  func.func @transform_6(%arg0: i32) -> (i32, i32) {
    %c0_i32 = arith.constant 0 : i32
    %c0_i32_0 = arith.constant 0 : i32
    %c0_i32_1 = arith.constant 0 : i32
    return %c0_i32, %c0_i32_0 : i32, i32
  }
  func.func @transform_7(%arg0: i32) -> (i32, i32) {
    %c0_i32 = arith.constant 0 : i32
    %c0_i32_0 = arith.constant 0 : i32
    %c0_i32_1 = arith.constant 0 : i32
    return %c0_i32, %c0_i32_0 : i32, i32
  }
  func.func @transform_8(%arg0: i32) -> (i32, i32) {
    %c0_i32 = arith.constant 0 : i32
    %c0_i32_0 = arith.constant 0 : i32
    %c0_i32_1 = arith.constant 0 : i32
    return %c0_i32, %c0_i32_0 : i32, i32
  }
  func.func @transform_9(%arg0: i32) -> (i32, i32) {
    %c0_i32 = arith.constant 0 : i32
    %c0_i32_0 = arith.constant 0 : i32
    %c0_i32_1 = arith.constant 0 : i32
    return %c0_i32, %c0_i32_0 : i32, i32
  }
  func.func @transform_10(%arg0: i32) -> (i32, i32) {
    %c0_i32 = arith.constant 0 : i32
    %c0_i32_0 = arith.constant 0 : i32
    return %arg0, %c0_i32 : i32, i32
  }
  func.func @transform_11(%arg0: i32) -> (i32, i32) {
    %c0_i32 = arith.constant 0 : i32
    %c0_i32_0 = arith.constant 0 : i32
    return %arg0, %c0_i32 : i32, i32
  }
  func.func @transform_12(%arg0: i32) -> (i32, i32) {
    %c0_i32 = arith.constant 0 : i32
    %c0_i32_0 = arith.constant 0 : i32
    return %arg0, %c0_i32 : i32, i32
  }
  func.func @transform_13(%arg0: i32) -> (i32, i32) {
    %c0_i32 = arith.constant 0 : i32
    %c0_i32_0 = arith.constant 0 : i32
    return %arg0, %c0_i32 : i32, i32
  }
}

module attributes {stable_mosaic.version = 14 : i64} {
  func.func @_k_router(%arg0: i32, %arg1: memref<192x768xf32, #tpu.memory_space<vmem>>, %arg2: memref<192x768xf32, #tpu.memory_space<vmem>>, %arg3: memref<768x768xf32, #tpu.memory_space<vmem>>, %arg4: memref<1x768xf32, #tpu.memory_space<vmem>>, %arg5: memref<768x32xf32, #tpu.memory_space<vmem>>, %arg6: memref<192x1xf32, #tpu.memory_space<vmem>>, %arg7: memref<192x768xf32, #tpu.memory_space<vmem>>, %arg8: memref<192x768xf32, #tpu.memory_space<vmem>>, %arg9: memref<192x32xf32, #tpu.memory_space<vmem>>, %arg10: memref<192x1xf32, #tpu.memory_space<vmem>>, %arg11: memref<192x1xi32, #tpu.memory_space<vmem>>, %arg12: memref<2304x8xf32, #tpu.memory_space<vmem>>, %arg13: memref<1x32xf32, #tpu.memory_space<vmem>>) attributes {dimension_semantics = [#tpu.dimension_semantics<arbitrary>], iteration_bounds = array<i64: 6>, scalar_prefetch = 0 : i64, scratch_operands = 1 : i64, tpu.core_type = #tpu.core_type<tc>, window_params = [{transform_indices = @transform_0, window_bounds = array<i64: 192, 768>}, {transform_indices = @transform_1, window_bounds = array<i64: 192, 768>}, {pipeline_mode = #tpu.pipeline_mode<synchronous>, transform_indices = @transform_2, window_bounds = array<i64: 768, 768>}, {pipeline_mode = #tpu.pipeline_mode<synchronous>, transform_indices = @transform_3, window_bounds = array<i64: 1, 768>}, {pipeline_mode = #tpu.pipeline_mode<synchronous>, transform_indices = @transform_4, window_bounds = array<i64: 768, 32>}, {transform_indices = @transform_5, window_bounds = array<i64: 192, 1>}, {transform_indices = @transform_6, window_bounds = array<i64: 192, 768>}, {transform_indices = @transform_7, window_bounds = array<i64: 192, 768>}, {transform_indices = @transform_8, window_bounds = array<i64: 192, 32>}, {transform_indices = @transform_9, window_bounds = array<i64: 192, 1>}, {transform_indices = @transform_10, window_bounds = array<i64: 192, 1>}, {pipeline_mode = #tpu.pipeline_mode<synchronous>, transform_indices = @transform_11, window_bounds = array<i64: 2304, 8>}]} {
    %eq3A = arith.constant 0 : i32
    %eq3A_0 = arith.cmpi eq, %arg0, %eq3A : i32
    %convert_element_type3A = arith.extui %eq3A_0 : i1 to i32
    %cond3A = arith.constant 0 : i32
    %cond3A_1 = arith.cmpi ne, %convert_element_type3A, %cond3A : i32
    scf.if %cond3A_1 {
      %broadcast_in_dim3A_138 = arith.constant 0.000000e+00 : f32
      %broadcast_in_dim3A_139 = vector.broadcast %broadcast_in_dim3A_138 : f32 to vector<1x32xf32>
      %swap3A_140 = arith.constant 0 : index
      %swap3A_141 = arith.constant 0 : index
      %swap3A_142 = vector.load %arg13[%swap3A_140, %swap3A_141] : memref<1x32xf32, #tpu.memory_space<vmem>>, vector<1x32xf32>
      tpu.vector_store %arg13[%swap3A_140, %swap3A_141], %broadcast_in_dim3A_139 {strides = array<i32>} : memref<1x32xf32, #tpu.memory_space<vmem>>, vector<1x32xf32>,
    } else {
    }
    %get3A = arith.constant 0 : index
    %get3A_2 = arith.constant 0 : index
    %get3A_3 = vector.load %arg2[%get3A, %get3A_2] : memref<192x768xf32, #tpu.memory_space<vmem>>, vector<192x768xf32>
    %get3A_4 = arith.constant 0 : index
    %get3A_5 = arith.constant 0 : index
    %get3A_6 = vector.load %arg1[%get3A_4, %get3A_5] : memref<192x768xf32, #tpu.memory_space<vmem>>, vector<192x768xf32>
    %get3A_7 = arith.constant 0 : index
    %get3A_8 = arith.constant 0 : index
    %get3A_9 = vector.load %arg3[%get3A_7, %get3A_8] : memref<768x768xf32, #tpu.memory_space<vmem>>, vector<768x768xf32>
    %convert_element_type3A_10 = arith.truncf %get3A_6 : vector<192x768xf32> to vector<192x768xbf16>
    %convert_element_type3A_11 = arith.truncf %get3A_9 : vector<768x768xf32> to vector<768x768xbf16>
    %dot_general3A = arith.constant dense<0.000000e+00> : vector<192x768xf32>
    %dot_general3A_12 = tpu.matmul %convert_element_type3A_10, %convert_element_type3A_11, %dot_general3A {dimension_numbers = #tpu.dot_dimension_numbers<[1], [0], [0], [1], [0, 0, 1, 1], [], []>, transpose_lhs_hint = false} : vector<192x768xbf16>, vector<768x768xbf16>, vector<192x768xf32> -> vector<192x768xf32>
    %add3A = arith.addf %get3A_3, %dot_general3A_12 : vector<192x768xf32>
    %swap3A = arith.constant 0 : index
    %swap3A_13 = arith.constant 0 : index
    %swap3A_14 = vector.load %arg7[%swap3A, %swap3A_13] : memref<192x768xf32, #tpu.memory_space<vmem>>, vector<192x768xf32>
    tpu.vector_store %arg7[%swap3A, %swap3A_13], %add3A {strides = array<i32>} : memref<192x768xf32, #tpu.memory_space<vmem>>, vector<192x768xf32>,
    %get3A_15 = arith.constant 0 : index
    %get3A_16 = arith.constant 0 : index
    %get3A_17 = vector.load %arg4[%get3A_15, %get3A_16] : memref<1x768xf32, #tpu.memory_space<vmem>>, vector<1x768xf32>
    %mul3A = arith.mulf %add3A, %add3A : vector<192x768xf32>
    %reduce_sum3A = arith.constant dense<0.000000e+00> : vector<192xf32>
    %reduce_sum3A_18 = vector.multi_reduction <add>, %mul3A, %reduce_sum3A [1] : vector<192x768xf32> to vector<192xf32>
    %broadcast_in_dim3A = vector.shape_cast %reduce_sum3A_18 : vector<192xf32> to vector<192x1xf32>
    %div3A = arith.constant 7.680000e+02 : f32
    %div3A_19 = vector.broadcast %div3A : f32 to vector<192x1xf32>
    %div3A_20 = arith.divf %broadcast_in_dim3A, %div3A_19 : vector<192x1xf32>
    %add3A_21 = arith.constant 9.99999997E-7 : f32
    %add3A_22 = vector.broadcast %add3A_21 : f32 to vector<192x1xf32>
    %add3A_23 = arith.addf %div3A_20, %add3A_22 : vector<192x1xf32>
    %rsqrt3A = math.rsqrt %add3A_23 : vector<192x1xf32>
    %mul3A_24 = vector.broadcast %rsqrt3A : vector<192x1xf32> to vector<192x768xf32>
    %mul3A_25 = arith.mulf %add3A, %mul3A_24 : vector<192x768xf32>
    %mul3A_26 = vector.broadcast %get3A_17 : vector<1x768xf32> to vector<192x768xf32>
    %mul3A_27 = arith.mulf %mul3A_25, %mul3A_26 : vector<192x768xf32>
    %swap3A_28 = arith.constant 0 : index
    %swap3A_29 = arith.constant 0 : index
    %swap3A_30 = vector.load %arg8[%swap3A_28, %swap3A_29] : memref<192x768xf32, #tpu.memory_space<vmem>>, vector<192x768xf32>
    tpu.vector_store %arg8[%swap3A_28, %swap3A_29], %mul3A_27 {strides = array<i32>} : memref<192x768xf32, #tpu.memory_space<vmem>>, vector<192x768xf32>,
    %get3A_31 = arith.constant 0 : index
    %get3A_32 = arith.constant 0 : index
    %get3A_33 = vector.load %arg5[%get3A_31, %get3A_32] : memref<768x32xf32, #tpu.memory_space<vmem>>, vector<768x32xf32>
    %convert_element_type3A_34 = arith.truncf %mul3A_27 : vector<192x768xf32> to vector<192x768xbf16>
    %convert_element_type3A_35 = arith.truncf %get3A_33 : vector<768x32xf32> to vector<768x32xbf16>
    %dot_general3A_36 = arith.constant dense<0.000000e+00> : vector<192x32xf32>
    %dot_general3A_37 = tpu.matmul %convert_element_type3A_34, %convert_element_type3A_35, %dot_general3A_36 {dimension_numbers = #tpu.dot_dimension_numbers<[1], [0], [0], [1], [0, 0, 1, 1], [], []>, transpose_lhs_hint = false} : vector<192x768xbf16>, vector<768x32xbf16>, vector<192x32xf32> -> vector<192x32xf32>
    %reduce_max3A = arith.constant dense<0xFF800000> : vector<192xf32>
    %reduce_max3A_38 = vector.multi_reduction <maximumf>, %dot_general3A_37, %reduce_max3A [1] : vector<192x32xf32> to vector<192xf32>
    %broadcast_in_dim3A_39 = vector.shape_cast %reduce_max3A_38 : vector<192xf32> to vector<192x1xf32>
    %sub3A = vector.broadcast %broadcast_in_dim3A_39 : vector<192x1xf32> to vector<192x32xf32>
    %sub3A_40 = arith.subf %dot_general3A_37, %sub3A : vector<192x32xf32>
    %exp3A = math.exp %sub3A_40 : vector<192x32xf32>
    %reduce_sum3A_41 = arith.constant dense<0.000000e+00> : vector<192xf32>
    %reduce_sum3A_42 = vector.multi_reduction <add>, %exp3A, %reduce_sum3A_41 [1] : vector<192x32xf32> to vector<192xf32>
    %broadcast_in_dim3A_43 = vector.shape_cast %reduce_sum3A_42 : vector<192xf32> to vector<192x1xf32>
    %div3A_44 = vector.broadcast %broadcast_in_dim3A_43 : vector<192x1xf32> to vector<192x32xf32>
    %div3A_45 = arith.divf %exp3A, %div3A_44 : vector<192x32xf32>
    %swap3A_46 = arith.constant 0 : index
    %swap3A_47 = arith.constant 0 : index
    %swap3A_48 = vector.load %arg9[%swap3A_46, %swap3A_47] : memref<192x32xf32, #tpu.memory_space<vmem>>, vector<192x32xf32>
    tpu.vector_store %arg9[%swap3A_46, %swap3A_47], %div3A_45 {strides = array<i32>} : memref<192x32xf32, #tpu.memory_space<vmem>>, vector<192x32xf32>,
    %reduce_max3A_49 = arith.constant dense<0xFF800000> : vector<192xf32>
    %reduce_max3A_50 = vector.multi_reduction <maximumf>, %div3A_45, %reduce_max3A_49 [1] : vector<192x32xf32> to vector<192xf32>
    %broadcast_in_dim3A_51 = vector.shape_cast %reduce_max3A_50 : vector<192xf32> to vector<192x1xf32>
    %iota3A = tpu.iota {dimensions = array<i32: 1>} : vector<192x32xi32>
    %eq3A_52 = vector.broadcast %broadcast_in_dim3A_51 : vector<192x1xf32> to vector<192x32xf32>
    %eq3A_53 = arith.cmpf oeq, %div3A_45, %eq3A_52 : vector<192x32xf32>
    %jit3A = arith.constant 32 : i32
    %broadcast_in_dim3A_54 = vector.broadcast %jit3A : i32 to vector<192x32xi32>
    %select_n3A = arith.select %eq3A_53, %iota3A, %broadcast_in_dim3A_54 : vector<192x32xi1>, vector<192x32xi32>
    %reduce_min3A = arith.constant dense<2147483647> : vector<192xi32>
    %reduce_min3A_55 = vector.multi_reduction <minsi>, %select_n3A, %reduce_min3A [1] : vector<192x32xi32> to vector<192xi32>
    %broadcast_in_dim3A_56 = vector.shape_cast %reduce_min3A_55 : vector<192xi32> to vector<192x1xi32>
    %eq3A_57 = vector.broadcast %broadcast_in_dim3A_56 : vector<192x1xi32> to vector<192x32xi32>
    %eq3A_58 = arith.cmpi eq, %iota3A, %eq3A_57 : vector<192x32xi32>
    %convert_element_type3A_59 = arith.extui %eq3A_58 : vector<192x32xi1> to vector<192x32xi32>
    %convert_element_type3A_60 = arith.sitofp %convert_element_type3A_59 : vector<192x32xi32> to vector<192x32xf32>
    %get3A_61 = arith.constant 0 : index
    %get3A_62 = arith.constant 0 : index
    %get3A_63 = vector.load %arg6[%get3A_61, %get3A_62] : memref<192x1xf32, #tpu.memory_space<vmem>>, vector<192x1xf32>
    %mul3A_64 = vector.broadcast %get3A_63 : vector<192x1xf32> to vector<192x32xf32>
    %mul3A_65 = arith.mulf %convert_element_type3A_60, %mul3A_64 : vector<192x32xf32>
    %iota3A_66 = tpu.iota {dimensions = array<i32: 1>} : vector<192x192xi32>
    %iota3A_67 = tpu.iota {dimensions = array<i32: 0>} : vector<192x192xi32>
    %le3A = arith.cmpi sle, %iota3A_66, %iota3A_67 : vector<192x192xi32>
    %convert_element_type3A_68 = arith.extui %le3A : vector<192x192xi1> to vector<192x192xi32>
    %convert_element_type3A_69 = arith.sitofp %convert_element_type3A_68 : vector<192x192xi32> to vector<192x192xf32>
    %get3A_70 = arith.constant 0 : index
    %get3A_71 = arith.constant 0 : index
    %get3A_72 = vector.load %arg13[%get3A_70, %get3A_71] : memref<1x32xf32, #tpu.memory_space<vmem>>, vector<1x32xf32>
    %dot_general3A_73 = arith.constant dense<0.000000e+00> : vector<192x32xf32>
    %dot_general3A_74 = tpu.matmul %convert_element_type3A_69, %mul3A_65, %dot_general3A_73 {dimension_numbers = #tpu.dot_dimension_numbers<[1], [0], [0], [1], [0, 0, 1, 1], [], []>, precision = #tpu.contract_precision<fp32>, transpose_lhs_hint = false} : vector<192x192xf32>, vector<192x32xf32>, vector<192x32xf32> -> vector<192x32xf32>
    %add3A_75 = vector.broadcast %get3A_72 : vector<1x32xf32> to vector<192x32xf32>
    %add3A_76 = arith.addf %dot_general3A_74, %add3A_75 : vector<192x32xf32>
    %reduce_sum3A_77 = arith.constant dense<0.000000e+00> : vector<32xf32>
    %reduce_sum3A_78 = vector.multi_reduction <add>, %mul3A_65, %reduce_sum3A_77 [0] : vector<192x32xf32> to vector<32xf32>
    %broadcast_in_dim3A_79 = vector.shape_cast %reduce_sum3A_78 : vector<32xf32> to vector<1x32xf32>
    %add3A_80 = arith.addf %get3A_72, %broadcast_in_dim3A_79 : vector<1x32xf32>
    %swap3A_81 = arith.constant 0 : index
    %swap3A_82 = arith.constant 0 : index
    %swap3A_83 = vector.load %arg13[%swap3A_81, %swap3A_82] : memref<1x32xf32, #tpu.memory_space<vmem>>, vector<1x32xf32>
    tpu.vector_store %arg13[%swap3A_81, %swap3A_82], %add3A_80 {strides = array<i32>} : memref<1x32xf32, #tpu.memory_space<vmem>>, vector<1x32xf32>,
    %mul3A_84 = arith.mulf %add3A_76, %mul3A_65 : vector<192x32xf32>
    %reduce_sum3A_85 = arith.constant dense<0.000000e+00> : vector<192xf32>
    %reduce_sum3A_86 = vector.multi_reduction <add>, %mul3A_84, %reduce_sum3A_85 [1] : vector<192x32xf32> to vector<192xf32>
    %broadcast_in_dim3A_87 = vector.shape_cast %reduce_sum3A_86 : vector<192xf32> to vector<192x1xf32>
    %ge3A = arith.constant 1.000000e+00 : f32
    %ge3A_88 = vector.broadcast %ge3A : f32 to vector<192x1xf32>
    %ge3A_89 = arith.cmpf oge, %broadcast_in_dim3A_87, %ge3A_88 : vector<192x1xf32>
    %le3A_90 = arith.constant 6.500000e+01 : f32
    %le3A_91 = vector.broadcast %le3A_90 : f32 to vector<192x1xf32>
    %le3A_92 = arith.cmpf ole, %broadcast_in_dim3A_87, %le3A_91 : vector<192x1xf32>
    %and3A = arith.andi %ge3A_89, %le3A_92 : vector<192x1xi1>
    %mul3A_93 = arith.constant 72 : i32
    %mul3A_94 = vector.broadcast %mul3A_93 : i32 to vector<192x1xi32>
    %mul3A_95 = arith.muli %broadcast_in_dim3A_56, %mul3A_94 : vector<192x1xi32>
    %convert_element_type3A_96 = arith.fptosi %broadcast_in_dim3A_87 : vector<192x1xf32> to vector<192x1xi32>
    %sub3A_97 = arith.constant 1 : i32
    %sub3A_98 = vector.broadcast %sub3A_97 : i32 to vector<192x1xi32>
    %sub3A_99 = arith.subi %convert_element_type3A_96, %sub3A_98 : vector<192x1xi32>
    %add3A_100 = arith.addi %mul3A_95, %sub3A_99 : vector<192x1xi32>
    %jit3A_101 = arith.constant 0 : i32
    %broadcast_in_dim3A_102 = vector.broadcast %jit3A_101 : i32 to vector<192x1xi32>
    %select_n3A_103 = arith.select %and3A, %add3A_100, %broadcast_in_dim3A_102 : vector<192x1xi1>, vector<192x1xi32>
    %swap3A_104 = arith.constant 0 : index
    %swap3A_105 = arith.constant 0 : index
    %swap3A_106 = vector.load %arg11[%swap3A_104, %swap3A_105] : memref<192x1xi32, #tpu.memory_space<vmem>>, vector<192x1xi32>
    tpu.vector_store %arg11[%swap3A_104, %swap3A_105], %select_n3A_103 {strides = array<i32>} : memref<192x1xi32, #tpu.memory_space<vmem>>, vector<192x1xi32>,
    %jit3A_107 = arith.constant 0.000000e+00 : f32
    %broadcast_in_dim3A_108 = vector.broadcast %jit3A_107 : f32 to vector<192x1xf32>
    %select_n3A_109 = arith.select %and3A, %broadcast_in_dim3A_51, %broadcast_in_dim3A_108 : vector<192x1xi1>, vector<192x1xf32>
    %swap3A_110 = arith.constant 0 : index
    %swap3A_111 = arith.constant 0 : index
    %swap3A_112 = vector.load %arg10[%swap3A_110, %swap3A_111] : memref<192x1xf32, #tpu.memory_space<vmem>>, vector<192x1xf32>
    tpu.vector_store %arg10[%swap3A_110, %swap3A_111], %select_n3A_109 {strides = array<i32>} : memref<192x1xf32, #tpu.memory_space<vmem>>, vector<192x1xf32>,
    %jit3A_113 = arith.constant 2311 : i32
    %broadcast_in_dim3A_114 = vector.broadcast %jit3A_113 : i32 to vector<192x1xi32>
    %select_n3A_115 = arith.select %and3A, %add3A_100, %broadcast_in_dim3A_114 : vector<192x1xi1>, vector<192x1xi32>
    %iota3A_116 = tpu.iota {dimensions = array<i32: 1>} : vector<192x2304xi32>
    %eq3A_117 = vector.broadcast %select_n3A_115 : vector<192x1xi32> to vector<192x2304xi32>
    %eq3A_118 = arith.cmpi eq, %iota3A_116, %eq3A_117 : vector<192x2304xi32>
    %convert_element_type3A_119 = arith.extui %eq3A_118 : vector<192x2304xi1> to vector<192x2304xi32>
    %convert_element_type3A_120 = arith.sitofp %convert_element_type3A_119 : vector<192x2304xi32> to vector<192x2304xf32>
    %iota3A_121 = tpu.iota {dimensions = array<i32: 0>} : vector<192x8xi32>
    %mul3A_122 = arith.constant 192 : i32
    %mul3A_123 = arith.muli %arg0, %mul3A_122 : i32
    %add3A_124 = vector.broadcast %mul3A_123 : i32 to vector<192x8xi32>
    %add3A_125 = arith.addi %iota3A_121, %add3A_124 : vector<192x8xi32>
    %convert_element_type3A_126 = arith.sitofp %add3A_125 : vector<192x8xi32> to vector<192x8xf32>
    %dot_general3A_127 = arith.constant dense<0.000000e+00> : vector<2304x8xf32>
    %dot_general3A_128 = tpu.matmul %convert_element_type3A_120, %convert_element_type3A_126, %dot_general3A_127 {dimension_numbers = #tpu.dot_dimension_numbers<[0], [0], [1], [1], [0, 1, 1, 1], [], []>, precision = #tpu.contract_precision<fp32>, transpose_lhs_hint = false} : vector<192x2304xf32>, vector<192x8xf32>, vector<2304x8xf32> -> vector<2304x8xf32>
    %eq3A_129 = arith.constant 0 : i32
    %eq3A_130 = arith.cmpi eq, %arg0, %eq3A_129 : i32
    %convert_element_type3A_131 = arith.extui %eq3A_130 : i1 to i32
    %cond3A_132 = arith.constant 0 : i32
    %cond3A_133 = arith.cmpi ne, %convert_element_type3A_131, %cond3A_132 : i32
    scf.if %cond3A_133 {
      %swap3A_138 = arith.constant 0 : index
      %swap3A_139 = arith.constant 0 : index
      %swap3A_140 = vector.load %arg12[%swap3A_138, %swap3A_139] : memref<2304x8xf32, #tpu.memory_space<vmem>>, vector<2304x8xf32>
      tpu.vector_store %arg12[%swap3A_138, %swap3A_139], %dot_general3A_128 {strides = array<i32>} : memref<2304x8xf32, #tpu.memory_space<vmem>>, vector<2304x8xf32>,
    } else {
    }
    %gt3A = arith.constant 0 : i32
    %gt3A_134 = arith.cmpi sgt, %arg0, %gt3A : i32
    %convert_element_type3A_135 = arith.extui %gt3A_134 : i1 to i32
    %cond3A_136 = arith.constant 0 : i32
    %cond3A_137 = arith.cmpi ne, %convert_element_type3A_135, %cond3A_136 : i32
    scf.if %cond3A_137 {
      %get3A_138 = arith.constant 0 : index
      %get3A_139 = arith.constant 0 : index
      %get3A_140 = vector.load %arg12[%get3A_138, %get3A_139] : memref<2304x8xf32, #tpu.memory_space<vmem>>, vector<2304x8xf32>
      %add3A_141 = arith.addf %get3A_140, %dot_general3A_128 : vector<2304x8xf32>
      %swap3A_142 = arith.constant 0 : index
      %swap3A_143 = arith.constant 0 : index
      %swap3A_144 = vector.load %arg12[%swap3A_142, %swap3A_143] : memref<2304x8xf32, #tpu.memory_space<vmem>>, vector<2304x8xf32>
      tpu.vector_store %arg12[%swap3A_142, %swap3A_143], %add3A_141 {strides = array<i32>} : memref<2304x8xf32, #tpu.memory_space<vmem>>, vector<2304x8xf32>,
    } else {
    }
    return
  }
  func.func @transform_0(%arg0: i32) -> (i32, i32) {
    %c0_i32 = arith.constant 0 : i32
    %c0_i32_0 = arith.constant 0 : i32
    return %arg0, %c0_i32 : i32, i32
  }
  func.func @transform_1(%arg0: i32) -> (i32, i32) {
    %c0_i32 = arith.constant 0 : i32
    %c0_i32_0 = arith.constant 0 : i32
    return %arg0, %c0_i32 : i32, i32
  }
  func.func @transform_2(%arg0: i32) -> (i32, i32) {
    %c0_i32 = arith.constant 0 : i32
    %c0_i32_0 = arith.constant 0 : i32
    %c0_i32_1 = arith.constant 0 : i32
    return %c0_i32, %c0_i32_0 : i32, i32
  }
  func.func @transform_3(%arg0: i32) -> (i32, i32) {
    %c0_i32 = arith.constant 0 : i32
    %c0_i32_0 = arith.constant 0 : i32
    %c0_i32_1 = arith.constant 0 : i32
    return %c0_i32, %c0_i32_0 : i32, i32
  }
  func.func @transform_4(%arg0: i32) -> (i32, i32) {
    %c0_i32 = arith.constant 0 : i32
    %c0_i32_0 = arith.constant 0 : i32
    %c0_i32_1 = arith.constant 0 : i32
    return %c0_i32, %c0_i32_0 : i32, i32
  }
  func.func @transform_5(%arg0: i32) -> (i32, i32) {
    %c0_i32 = arith.constant 0 : i32
    %c0_i32_0 = arith.constant 0 : i32
    return %arg0, %c0_i32 : i32, i32
  }
  func.func @transform_6(%arg0: i32) -> (i32, i32) {
    %c0_i32 = arith.constant 0 : i32
    %c0_i32_0 = arith.constant 0 : i32
    return %arg0, %c0_i32 : i32, i32
  }
  func.func @transform_7(%arg0: i32) -> (i32, i32) {
    %c0_i32 = arith.constant 0 : i32
    %c0_i32_0 = arith.constant 0 : i32
    return %arg0, %c0_i32 : i32, i32
  }
  func.func @transform_8(%arg0: i32) -> (i32, i32) {
    %c0_i32 = arith.constant 0 : i32
    %c0_i32_0 = arith.constant 0 : i32
    return %arg0, %c0_i32 : i32, i32
  }
  func.func @transform_9(%arg0: i32) -> (i32, i32) {
    %c0_i32 = arith.constant 0 : i32
    %c0_i32_0 = arith.constant 0 : i32
    return %arg0, %c0_i32 : i32, i32
  }
  func.func @transform_10(%arg0: i32) -> (i32, i32) {
    %c0_i32 = arith.constant 0 : i32
    %c0_i32_0 = arith.constant 0 : i32
    return %arg0, %c0_i32 : i32, i32
  }
  func.func @transform_11(%arg0: i32) -> (i32, i32) {
    %c0_i32 = arith.constant 0 : i32
    %c0_i32_0 = arith.constant 0 : i32
    %c0_i32_1 = arith.constant 0 : i32
    return %c0_i32, %c0_i32_0 : i32, i32
  }
}

module attributes {stable_mosaic.version = 14 : i64} {
  func.func @_k_expert(%arg0: i32, %arg1: memref<1x72x768xf32, #tpu.memory_space<vmem>>, %arg2: memref<1x768x2048xf32, #tpu.memory_space<vmem>>, %arg3: memref<1x2048x768xf32, #tpu.memory_space<vmem>>, %arg4: memref<1x72x768xf32, #tpu.memory_space<vmem>>) attributes {dimension_semantics = [#tpu.dimension_semantics<arbitrary>], iteration_bounds = array<i64: 32>, scalar_prefetch = 0 : i64, scratch_operands = 0 : i64, tpu.core_type = #tpu.core_type<tc>, window_params = [{transform_indices = @transform_0, window_bounds = array<i64: 1, 72, 768>}, {transform_indices = @transform_1, window_bounds = array<i64: 1, 768, 2048>}, {transform_indices = @transform_2, window_bounds = array<i64: 1, 2048, 768>}, {transform_indices = @transform_3, window_bounds = array<i64: 1, 72, 768>}]} {
    %get3A = arith.constant 0 : index
    %get3A_0 = arith.constant 0 : index
    %get3A_1 = arith.constant 0 : index
    %get3A_2 = vector.load %arg1[%get3A, %get3A_0, %get3A_1] : memref<1x72x768xf32, #tpu.memory_space<vmem>>, vector<1x72x768xf32>
    %get3A_3 = vector.shape_cast %get3A_2 : vector<1x72x768xf32> to vector<72x768xf32>
    %get3A_4 = arith.constant 0 : index
    %get3A_5 = arith.constant 0 : index
    %get3A_6 = arith.constant 0 : index
    %get3A_7 = vector.load %arg2[%get3A_4, %get3A_5, %get3A_6] : memref<1x768x2048xf32, #tpu.memory_space<vmem>>, vector<1x768x2048xf32>
    %get3A_8 = vector.shape_cast %get3A_7 : vector<1x768x2048xf32> to vector<768x2048xf32>
    %convert_element_type3A = arith.truncf %get3A_3 : vector<72x768xf32> to vector<72x768xbf16>
    %convert_element_type3A_9 = arith.truncf %get3A_8 : vector<768x2048xf32> to vector<768x2048xbf16>
    %dot_general3A = arith.constant dense<0.000000e+00> : vector<72x2048xf32>
    %dot_general3A_10 = tpu.matmul %convert_element_type3A, %convert_element_type3A_9, %dot_general3A {dimension_numbers = #tpu.dot_dimension_numbers<[1], [0], [0], [1], [0, 0, 1, 1], [], []>, transpose_lhs_hint = false} : vector<72x768xbf16>, vector<768x2048xbf16>, vector<72x2048xf32> -> vector<72x2048xf32>
    %max3A = arith.constant 0.000000e+00 : f32
    %max3A_11 = vector.broadcast %max3A : f32 to vector<72x2048xf32>
    %max3A_12 = arith.maximumf %dot_general3A_10, %max3A_11 : vector<72x2048xf32>
    %get3A_13 = arith.constant 0 : index
    %get3A_14 = arith.constant 0 : index
    %get3A_15 = arith.constant 0 : index
    %get3A_16 = vector.load %arg3[%get3A_13, %get3A_14, %get3A_15] : memref<1x2048x768xf32, #tpu.memory_space<vmem>>, vector<1x2048x768xf32>
    %get3A_17 = vector.shape_cast %get3A_16 : vector<1x2048x768xf32> to vector<2048x768xf32>
    %convert_element_type3A_18 = arith.truncf %max3A_12 : vector<72x2048xf32> to vector<72x2048xbf16>
    %convert_element_type3A_19 = arith.truncf %get3A_17 : vector<2048x768xf32> to vector<2048x768xbf16>
    %dot_general3A_20 = arith.constant dense<0.000000e+00> : vector<72x768xf32>
    %dot_general3A_21 = tpu.matmul %convert_element_type3A_18, %convert_element_type3A_19, %dot_general3A_20 {dimension_numbers = #tpu.dot_dimension_numbers<[1], [0], [0], [1], [0, 0, 1, 1], [], []>, transpose_lhs_hint = false} : vector<72x2048xbf16>, vector<2048x768xbf16>, vector<72x768xf32> -> vector<72x768xf32>
    %swap3A = arith.constant 0 : index
    %swap3A_22 = arith.constant 0 : index
    %swap3A_23 = arith.constant 0 : index
    %swap3A_24 = vector.load %arg4[%swap3A, %swap3A_22, %swap3A_23] : memref<1x72x768xf32, #tpu.memory_space<vmem>>, vector<1x72x768xf32>
    %swap3A_25 = vector.shape_cast %swap3A_24 : vector<1x72x768xf32> to vector<72x768xf32>
    %swap3A_26 = vector.shape_cast %dot_general3A_21 : vector<72x768xf32> to vector<1x72x768xf32>
    tpu.vector_store %arg4[%swap3A, %swap3A_22, %swap3A_23], %swap3A_26 {strides = array<i32>} : memref<1x72x768xf32, #tpu.memory_space<vmem>>, vector<1x72x768xf32>,
    return
  }
  func.func @transform_0(%arg0: i32) -> (i32, i32, i32) {
    %c0_i32 = arith.constant 0 : i32
    %c0_i32_0 = arith.constant 0 : i32
    %c0_i32_1 = arith.constant 0 : i32
    return %arg0, %c0_i32, %c0_i32_0 : i32, i32, i32
  }
  func.func @transform_1(%arg0: i32) -> (i32, i32, i32) {
    %c0_i32 = arith.constant 0 : i32
    %c0_i32_0 = arith.constant 0 : i32
    %c0_i32_1 = arith.constant 0 : i32
    return %arg0, %c0_i32, %c0_i32_0 : i32, i32, i32
  }
  func.func @transform_2(%arg0: i32) -> (i32, i32, i32) {
    %c0_i32 = arith.constant 0 : i32
    %c0_i32_0 = arith.constant 0 : i32
    %c0_i32_1 = arith.constant 0 : i32
    return %arg0, %c0_i32, %c0_i32_0 : i32, i32, i32
  }
  func.func @transform_3(%arg0: i32) -> (i32, i32, i32) {
    %c0_i32 = arith.constant 0 : i32
    %c0_i32_0 = arith.constant 0 : i32
    %c0_i32_1 = arith.constant 0 : i32
    return %arg0, %c0_i32, %c0_i32_0 : i32, i32, i32
  }
}

module attributes {stable_mosaic.version = 14 : i64} {
  func.func @_k_final(%arg0: i32, %arg1: memref<192x768xf32, #tpu.memory_space<vmem>>, %arg2: memref<192x768xf32, #tpu.memory_space<vmem>>, %arg3: memref<192x1xf32, #tpu.memory_space<vmem>>, %arg4: memref<1x768xf32, #tpu.memory_space<vmem>>, %arg5: memref<768x14xf32, #tpu.memory_space<vmem>>, %arg6: memref<1x14xf32, #tpu.memory_space<vmem>>, %arg7: memref<192x768xf32, #tpu.memory_space<vmem>>, %arg8: memref<192x14xf32, #tpu.memory_space<vmem>>) attributes {dimension_semantics = [#tpu.dimension_semantics<arbitrary>], iteration_bounds = array<i64: 6>, scalar_prefetch = 0 : i64, scratch_operands = 0 : i64, tpu.core_type = #tpu.core_type<tc>, window_params = [{transform_indices = @transform_0, window_bounds = array<i64: 192, 768>}, {transform_indices = @transform_1, window_bounds = array<i64: 192, 768>}, {transform_indices = @transform_2, window_bounds = array<i64: 192, 1>}, {pipeline_mode = #tpu.pipeline_mode<synchronous>, transform_indices = @transform_3, window_bounds = array<i64: 1, 768>}, {pipeline_mode = #tpu.pipeline_mode<synchronous>, transform_indices = @transform_4, window_bounds = array<i64: 768, 14>}, {pipeline_mode = #tpu.pipeline_mode<synchronous>, transform_indices = @transform_5, window_bounds = array<i64: 1, 14>}, {transform_indices = @transform_6, window_bounds = array<i64: 192, 768>}, {transform_indices = @transform_7, window_bounds = array<i64: 192, 14>}]} {
    %get3A = arith.constant 0 : index
    %get3A_0 = arith.constant 0 : index
    %get3A_1 = vector.load %arg1[%get3A, %get3A_0] : memref<192x768xf32, #tpu.memory_space<vmem>>, vector<192x768xf32>
    %get3A_2 = arith.constant 0 : index
    %get3A_3 = arith.constant 0 : index
    %get3A_4 = vector.load %arg3[%get3A_2, %get3A_3] : memref<192x1xf32, #tpu.memory_space<vmem>>, vector<192x1xf32>
    %convert_element_type3A = arith.truncf %get3A_4 : vector<192x1xf32> to vector<192x1xbf16>
    %convert_element_type3A_5 = arith.extf %convert_element_type3A : vector<192x1xbf16> to vector<192x1xf32>
    %get3A_6 = arith.constant 0 : index
    %get3A_7 = arith.constant 0 : index
    %get3A_8 = vector.load %arg2[%get3A_6, %get3A_7] : memref<192x768xf32, #tpu.memory_space<vmem>>, vector<192x768xf32>
    %convert_element_type3A_9 = arith.truncf %get3A_8 : vector<192x768xf32> to vector<192x768xbf16>
    %convert_element_type3A_10 = arith.extf %convert_element_type3A_9 : vector<192x768xbf16> to vector<192x768xf32>
    %mul3A = vector.broadcast %convert_element_type3A_5 : vector<192x1xf32> to vector<192x768xf32>
    %mul3A_11 = arith.mulf %mul3A, %convert_element_type3A_10 : vector<192x768xf32>
    %add3A = arith.addf %get3A_1, %mul3A_11 : vector<192x768xf32>
    %get3A_12 = arith.constant 0 : index
    %get3A_13 = arith.constant 0 : index
    %get3A_14 = vector.load %arg4[%get3A_12, %get3A_13] : memref<1x768xf32, #tpu.memory_space<vmem>>, vector<1x768xf32>
    %mul3A_15 = arith.mulf %add3A, %add3A : vector<192x768xf32>
    %reduce_sum3A = arith.constant dense<0.000000e+00> : vector<192xf32>
    %reduce_sum3A_16 = vector.multi_reduction <add>, %mul3A_15, %reduce_sum3A [1] : vector<192x768xf32> to vector<192xf32>
    %broadcast_in_dim3A = vector.shape_cast %reduce_sum3A_16 : vector<192xf32> to vector<192x1xf32>
    %div3A = arith.constant 7.680000e+02 : f32
    %div3A_17 = vector.broadcast %div3A : f32 to vector<192x1xf32>
    %div3A_18 = arith.divf %broadcast_in_dim3A, %div3A_17 : vector<192x1xf32>
    %add3A_19 = arith.constant 9.99999997E-7 : f32
    %add3A_20 = vector.broadcast %add3A_19 : f32 to vector<192x1xf32>
    %add3A_21 = arith.addf %div3A_18, %add3A_20 : vector<192x1xf32>
    %rsqrt3A = math.rsqrt %add3A_21 : vector<192x1xf32>
    %mul3A_22 = vector.broadcast %rsqrt3A : vector<192x1xf32> to vector<192x768xf32>
    %mul3A_23 = arith.mulf %add3A, %mul3A_22 : vector<192x768xf32>
    %mul3A_24 = vector.broadcast %get3A_14 : vector<1x768xf32> to vector<192x768xf32>
    %mul3A_25 = arith.mulf %mul3A_23, %mul3A_24 : vector<192x768xf32>
    %swap3A = arith.constant 0 : index
    %swap3A_26 = arith.constant 0 : index
    %swap3A_27 = vector.load %arg7[%swap3A, %swap3A_26] : memref<192x768xf32, #tpu.memory_space<vmem>>, vector<192x768xf32>
    tpu.vector_store %arg7[%swap3A, %swap3A_26], %mul3A_25 {strides = array<i32>} : memref<192x768xf32, #tpu.memory_space<vmem>>, vector<192x768xf32>,
    %get3A_28 = arith.constant 0 : index
    %get3A_29 = arith.constant 0 : index
    %get3A_30 = vector.load %arg5[%get3A_28, %get3A_29] : memref<768x14xf32, #tpu.memory_space<vmem>>, vector<768x14xf32>
    %convert_element_type3A_31 = arith.truncf %mul3A_25 : vector<192x768xf32> to vector<192x768xbf16>
    %convert_element_type3A_32 = arith.truncf %get3A_30 : vector<768x14xf32> to vector<768x14xbf16>
    %dot_general3A = arith.constant dense<0.000000e+00> : vector<192x14xf32>
    %dot_general3A_33 = tpu.matmul %convert_element_type3A_31, %convert_element_type3A_32, %dot_general3A {dimension_numbers = #tpu.dot_dimension_numbers<[1], [0], [0], [1], [0, 0, 1, 1], [], []>, transpose_lhs_hint = false} : vector<192x768xbf16>, vector<768x14xbf16>, vector<192x14xf32> -> vector<192x14xf32>
    %get3A_34 = arith.constant 0 : index
    %get3A_35 = arith.constant 0 : index
    %get3A_36 = vector.load %arg6[%get3A_34, %get3A_35] : memref<1x14xf32, #tpu.memory_space<vmem>>, vector<1x14xf32>
    %add3A_37 = vector.broadcast %get3A_36 : vector<1x14xf32> to vector<192x14xf32>
    %add3A_38 = arith.addf %dot_general3A_33, %add3A_37 : vector<192x14xf32>
    %swap3A_39 = arith.constant 0 : index
    %swap3A_40 = arith.constant 0 : index
    %swap3A_41 = vector.load %arg8[%swap3A_39, %swap3A_40] : memref<192x14xf32, #tpu.memory_space<vmem>>, vector<192x14xf32>
    tpu.vector_store %arg8[%swap3A_39, %swap3A_40], %add3A_38 {strides = array<i32>} : memref<192x14xf32, #tpu.memory_space<vmem>>, vector<192x14xf32>,
    return
  }
  func.func @transform_0(%arg0: i32) -> (i32, i32) {
    %c0_i32 = arith.constant 0 : i32
    %c0_i32_0 = arith.constant 0 : i32
    return %arg0, %c0_i32 : i32, i32
  }
  func.func @transform_1(%arg0: i32) -> (i32, i32) {
    %c0_i32 = arith.constant 0 : i32
    %c0_i32_0 = arith.constant 0 : i32
    return %arg0, %c0_i32 : i32, i32
  }
  func.func @transform_2(%arg0: i32) -> (i32, i32) {
    %c0_i32 = arith.constant 0 : i32
    %c0_i32_0 = arith.constant 0 : i32
    return %arg0, %c0_i32 : i32, i32
  }
  func.func @transform_3(%arg0: i32) -> (i32, i32) {
    %c0_i32 = arith.constant 0 : i32
    %c0_i32_0 = arith.constant 0 : i32
    %c0_i32_1 = arith.constant 0 : i32
    return %c0_i32, %c0_i32_0 : i32, i32
  }
  func.func @transform_4(%arg0: i32) -> (i32, i32) {
    %c0_i32 = arith.constant 0 : i32
    %c0_i32_0 = arith.constant 0 : i32
    %c0_i32_1 = arith.constant 0 : i32
    return %c0_i32, %c0_i32_0 : i32, i32
  }
  func.func @transform_5(%arg0: i32) -> (i32, i32) {
    %c0_i32 = arith.constant 0 : i32
    %c0_i32_0 = arith.constant 0 : i32
    %c0_i32_1 = arith.constant 0 : i32
    return %c0_i32, %c0_i32_0 : i32, i32
  }
  func.func @transform_6(%arg0: i32) -> (i32, i32) {
    %c0_i32 = arith.constant 0 : i32
    %c0_i32_0 = arith.constant 0 : i32
    return %arg0, %c0_i32 : i32, i32
  }
  func.func @transform_7(%arg0: i32) -> (i32, i32) {
    %c0_i32 = arith.constant 0 : i32
    %c0_i32_0 = arith.constant 0 : i32
    return %arg0, %c0_i32 : i32, i32
  }
}

module attributes {stable_mosaic.version = 14 : i64} {
  func.func @_k_out1(%arg0: i32, %arg1: memref<16x1x1x768xf32, #tpu.memory_space<vmem>>, %arg2: memref<1968x768xf32, #tpu.memory_space<vmem>>, %arg3: memref<16x1968xf32, #tpu.memory_space<vmem>>, %arg4: memref<1x1968xf32, #tpu.memory_space<vmem>>, %arg5: memref<1x1x768xf32, #tpu.memory_space<vmem>>, %arg6: memref<1x1xf32, #tpu.memory_space<vmem>>, %arg7: memref<16x1968xf32, #tpu.memory_space<vmem>>, %arg8: memref<16x1xf32, #tpu.memory_space<vmem>>) attributes {dimension_semantics = [#tpu.dimension_semantics<arbitrary>], iteration_bounds = array<i64: 65>, scalar_prefetch = 0 : i64, scratch_operands = 0 : i64, tpu.core_type = #tpu.core_type<tc>, window_params = [{transform_indices = @transform_0, window_bounds = array<i64: 16, 1, 1, 768>}, {transform_indices = @transform_1, window_bounds = array<i64: 1968, 768>}, {pipeline_mode = #tpu.pipeline_mode<synchronous>, transform_indices = @transform_2, window_bounds = array<i64: 16, 1968>}, {pipeline_mode = #tpu.pipeline_mode<synchronous>, transform_indices = @transform_3, window_bounds = array<i64: 1, 1968>}, {transform_indices = @transform_4, window_bounds = array<i64: 1, 1, 768>}, {pipeline_mode = #tpu.pipeline_mode<synchronous>, transform_indices = @transform_5, window_bounds = array<i64: 1, 1>}, {pipeline_mode = #tpu.pipeline_mode<synchronous>, transform_indices = @transform_6, window_bounds = array<i64: 16, 1968>}, {pipeline_mode = #tpu.pipeline_mode<synchronous>, transform_indices = @transform_7, window_bounds = array<i64: 16, 1>}]} {
    %get3A = arith.constant 0 : index
    %get3A_0 = arith.constant 0 : index
    %get3A_1 = arith.constant 0 : index
    %get3A_2 = arith.constant 0 : index
    %get3A_3 = vector.load %arg1[%get3A, %get3A_0, %get3A_1, %get3A_2] : memref<16x1x1x768xf32, #tpu.memory_space<vmem>>, vector<16x1x1x768xf32>
    %get3A_4 = vector.shape_cast %get3A_3 : vector<16x1x1x768xf32> to vector<16x768xf32>
    %convert_element_type3A = arith.truncf %get3A_4 : vector<16x768xf32> to vector<16x768xbf16>
    %get3A_5 = arith.constant 0 : index
    %get3A_6 = arith.constant 0 : index
    %get3A_7 = vector.load %arg2[%get3A_5, %get3A_6] : memref<1968x768xf32, #tpu.memory_space<vmem>>, vector<1968x768xf32>
    %convert_element_type3A_8 = arith.truncf %get3A_7 : vector<1968x768xf32> to vector<1968x768xbf16>
    %dot_general3A = arith.constant dense<0.000000e+00> : vector<16x1968xf32>
    %dot_general3A_9 = tpu.matmul %convert_element_type3A, %convert_element_type3A_8, %dot_general3A {dimension_numbers = #tpu.dot_dimension_numbers<[1], [1], [0], [0], [0, 0, 1, 0], [], []>, transpose_lhs_hint = false} : vector<16x768xbf16>, vector<1968x768xbf16>, vector<16x1968xf32> -> vector<16x1968xf32>
    %convert_element_type3A_10 = arith.truncf %get3A_4 : vector<16x768xf32> to vector<16x768xbf16>
    %convert_element_type3A_11 = arith.extf %convert_element_type3A_10 : vector<16x768xbf16> to vector<16x768xf32>
    %get3A_12 = arith.constant 0 : index
    %get3A_13 = arith.constant 0 : index
    %get3A_14 = arith.constant 0 : index
    %get3A_15 = vector.load %arg5[%get3A_12, %get3A_13, %get3A_14] : memref<1x1x768xf32, #tpu.memory_space<vmem>>, vector<1x1x768xf32>
    %get3A_16 = vector.shape_cast %get3A_15 : vector<1x1x768xf32> to vector<1x768xf32>
    %convert_element_type3A_17 = arith.truncf %get3A_16 : vector<1x768xf32> to vector<1x768xbf16>
    %convert_element_type3A_18 = arith.extf %convert_element_type3A_17 : vector<1x768xbf16> to vector<1x768xf32>
    %mul3A = vector.broadcast %convert_element_type3A_18 : vector<1x768xf32> to vector<16x768xf32>
    %mul3A_19 = arith.mulf %convert_element_type3A_11, %mul3A : vector<16x768xf32>
    %reduce_sum3A = arith.constant dense<0.000000e+00> : vector<16xf32>
    %reduce_sum3A_20 = vector.multi_reduction <add>, %mul3A_19, %reduce_sum3A [1] : vector<16x768xf32> to vector<16xf32>
    %broadcast_in_dim3A = vector.shape_cast %reduce_sum3A_20 : vector<16xf32> to vector<16x1xf32>
    %eq3A = arith.constant 0 : i32
    %eq3A_21 = arith.cmpi eq, %arg0, %eq3A : i32
    %convert_element_type3A_22 = arith.extui %eq3A_21 : i1 to i32
    %cond3A = arith.constant 0 : i32
    %cond3A_23 = arith.cmpi ne, %convert_element_type3A_22, %cond3A : i32
    scf.if %cond3A_23 {
      %swap3A = arith.constant 0 : index
      %swap3A_33 = arith.constant 0 : index
      %swap3A_34 = vector.load %arg7[%swap3A, %swap3A_33] : memref<16x1968xf32, #tpu.memory_space<vmem>>, vector<16x1968xf32>
      tpu.vector_store %arg7[%swap3A, %swap3A_33], %dot_general3A_9 {strides = array<i32>} : memref<16x1968xf32, #tpu.memory_space<vmem>>, vector<16x1968xf32>,
      %swap3A_35 = arith.constant 0 : index
      %swap3A_36 = arith.constant 0 : index
      %swap3A_37 = vector.load %arg8[%swap3A_35, %swap3A_36] : memref<16x1xf32, #tpu.memory_space<vmem>>, vector<16x1xf32>
      tpu.vector_store %arg8[%swap3A_35, %swap3A_36], %broadcast_in_dim3A {strides = array<i32>} : memref<16x1xf32, #tpu.memory_space<vmem>>, vector<16x1xf32>,
    } else {
    }
    %gt3A = arith.constant 0 : i32
    %gt3A_24 = arith.cmpi sgt, %arg0, %gt3A : i32
    %convert_element_type3A_25 = arith.extui %gt3A_24 : i1 to i32
    %cond3A_26 = arith.constant 0 : i32
    %cond3A_27 = arith.cmpi ne, %convert_element_type3A_25, %cond3A_26 : i32
    scf.if %cond3A_27 {
      %get3A_33 = arith.constant 0 : index
      %get3A_34 = arith.constant 0 : index
      %get3A_35 = vector.load %arg7[%get3A_33, %get3A_34] : memref<16x1968xf32, #tpu.memory_space<vmem>>, vector<16x1968xf32>
      %add3A = arith.addf %get3A_35, %dot_general3A_9 : vector<16x1968xf32>
      %swap3A = arith.constant 0 : index
      %swap3A_36 = arith.constant 0 : index
      %swap3A_37 = vector.load %arg7[%swap3A, %swap3A_36] : memref<16x1968xf32, #tpu.memory_space<vmem>>, vector<16x1968xf32>
      tpu.vector_store %arg7[%swap3A, %swap3A_36], %add3A {strides = array<i32>} : memref<16x1968xf32, #tpu.memory_space<vmem>>, vector<16x1968xf32>,
      %get3A_38 = arith.constant 0 : index
      %get3A_39 = arith.constant 0 : index
      %get3A_40 = vector.load %arg8[%get3A_38, %get3A_39] : memref<16x1xf32, #tpu.memory_space<vmem>>, vector<16x1xf32>
      %add3A_41 = arith.addf %get3A_40, %broadcast_in_dim3A : vector<16x1xf32>
      %swap3A_42 = arith.constant 0 : index
      %swap3A_43 = arith.constant 0 : index
      %swap3A_44 = vector.load %arg8[%swap3A_42, %swap3A_43] : memref<16x1xf32, #tpu.memory_space<vmem>>, vector<16x1xf32>
      tpu.vector_store %arg8[%swap3A_42, %swap3A_43], %add3A_41 {strides = array<i32>} : memref<16x1xf32, #tpu.memory_space<vmem>>, vector<16x1xf32>,
    } else {
    }
    %eq3A_28 = arith.constant 64 : i32
    %eq3A_29 = arith.cmpi eq, %arg0, %eq3A_28 : i32
    %convert_element_type3A_30 = arith.extui %eq3A_29 : i1 to i32
    %cond3A_31 = arith.constant 0 : i32
    %cond3A_32 = arith.cmpi ne, %convert_element_type3A_30, %cond3A_31 : i32
    scf.if %cond3A_32 {
      %get3A_33 = arith.constant 0 : index
      %get3A_34 = arith.constant 0 : index
      %get3A_35 = vector.load %arg7[%get3A_33, %get3A_34] : memref<16x1968xf32, #tpu.memory_space<vmem>>, vector<16x1968xf32>
      %get3A_36 = arith.constant 0 : index
      %get3A_37 = arith.constant 0 : index
      %get3A_38 = vector.load %arg4[%get3A_36, %get3A_37] : memref<1x1968xf32, #tpu.memory_space<vmem>>, vector<1x1968xf32>
      %add3A = vector.broadcast %get3A_38 : vector<1x1968xf32> to vector<16x1968xf32>
      %add3A_39 = arith.addf %get3A_35, %add3A : vector<16x1968xf32>
      %get3A_40 = arith.constant 0 : index
      %get3A_41 = arith.constant 0 : index
      %get3A_42 = vector.load %arg3[%get3A_40, %get3A_41] : memref<16x1968xf32, #tpu.memory_space<vmem>>, vector<16x1968xf32>
      %lt3A = arith.constant -1.000000e+00 : f32
      %lt3A_43 = vector.broadcast %lt3A : f32 to vector<16x1968xf32>
      %lt3A_44 = arith.cmpf olt, %get3A_42, %lt3A_43 : vector<16x1968xf32>
      %jit3A = arith.constant -1.000000e+30 : f32
      %broadcast_in_dim3A_45 = vector.broadcast %jit3A : f32 to vector<16x1968xf32>
      %select_n3A = arith.select %lt3A_44, %broadcast_in_dim3A_45, %add3A_39 : vector<16x1968xi1>, vector<16x1968xf32>
      %swap3A = arith.constant 0 : index
      %swap3A_46 = arith.constant 0 : index
      %swap3A_47 = vector.load %arg7[%swap3A, %swap3A_46] : memref<16x1968xf32, #tpu.memory_space<vmem>>, vector<16x1968xf32>
      tpu.vector_store %arg7[%swap3A, %swap3A_46], %select_n3A {strides = array<i32>} : memref<16x1968xf32, #tpu.memory_space<vmem>>, vector<16x1968xf32>,
      %get3A_48 = arith.constant 0 : index
      %get3A_49 = arith.constant 0 : index
      %get3A_50 = vector.load %arg8[%get3A_48, %get3A_49] : memref<16x1xf32, #tpu.memory_space<vmem>>, vector<16x1xf32>
      %get3A_51 = arith.constant 0 : index
      %get3A_52 = arith.constant 0 : index
      %get3A_53 = vector.load %arg6[%get3A_51, %get3A_52] : memref<1x1xf32, #tpu.memory_space<vmem>>, vector<1x1xf32>
      %add3A_54 = vector.broadcast %get3A_53 : vector<1x1xf32> to vector<16x1xf32>
      %add3A_55 = arith.addf %get3A_50, %add3A_54 : vector<16x1xf32>
      %tanh3A = math.tanh %add3A_55 : vector<16x1xf32>
      %swap3A_56 = arith.constant 0 : index
      %swap3A_57 = arith.constant 0 : index
      %swap3A_58 = vector.load %arg8[%swap3A_56, %swap3A_57] : memref<16x1xf32, #tpu.memory_space<vmem>>, vector<16x1xf32>
      tpu.vector_store %arg8[%swap3A_56, %swap3A_57], %tanh3A {strides = array<i32>} : memref<16x1xf32, #tpu.memory_space<vmem>>, vector<16x1xf32>,
    } else {
    }
    return
  }
  func.func @transform_0(%arg0: i32) -> (i32, i32, i32, i32) {
    %c0_i32 = arith.constant 0 : i32
    %c0_i32_0 = arith.constant 0 : i32
    %c0_i32_1 = arith.constant 0 : i32
    %c0_i32_2 = arith.constant 0 : i32
    return %c0_i32, %arg0, %c0_i32_0, %c0_i32_1 : i32, i32, i32, i32
  }
  func.func @transform_1(%arg0: i32) -> (i32, i32) {
    %c0_i32 = arith.constant 0 : i32
    %c0_i32_0 = arith.constant 0 : i32
    return %c0_i32, %arg0 : i32, i32
  }
  func.func @transform_2(%arg0: i32) -> (i32, i32) {
    %c0_i32 = arith.constant 0 : i32
    %c0_i32_0 = arith.constant 0 : i32
    %c0_i32_1 = arith.constant 0 : i32
    return %c0_i32, %c0_i32_0 : i32, i32
  }
  func.func @transform_3(%arg0: i32) -> (i32, i32) {
    %c0_i32 = arith.constant 0 : i32
    %c0_i32_0 = arith.constant 0 : i32
    %c0_i32_1 = arith.constant 0 : i32
    return %c0_i32, %c0_i32_0 : i32, i32
  }
  func.func @transform_4(%arg0: i32) -> (i32, i32, i32) {
    %c0_i32 = arith.constant 0 : i32
    %c0_i32_0 = arith.constant 0 : i32
    %c0_i32_1 = arith.constant 0 : i32
    return %arg0, %c0_i32, %c0_i32_0 : i32, i32, i32
  }
  func.func @transform_5(%arg0: i32) -> (i32, i32) {
    %c0_i32 = arith.constant 0 : i32
    %c0_i32_0 = arith.constant 0 : i32
    %c0_i32_1 = arith.constant 0 : i32
    return %c0_i32, %c0_i32_0 : i32, i32
  }
  func.func @transform_6(%arg0: i32) -> (i32, i32) {
    %c0_i32 = arith.constant 0 : i32
    %c0_i32_0 = arith.constant 0 : i32
    %c0_i32_1 = arith.constant 0 : i32
    return %c0_i32, %c0_i32_0 : i32, i32
  }
  func.func @transform_7(%arg0: i32) -> (i32, i32) {
    %c0_i32 = arith.constant 0 : i32
    %c0_i32_0 = arith.constant 0 : i32
    %c0_i32_1 = arith.constant 0 : i32
    return %c0_i32, %c0_i32_0 : i32, i32
  }
}

</mosaic_0001>

<sc_bundles>
// kernel: kernel.12.cloned.1.call-start
scs
__scs_entry_jumppad:
0x0: {  	(pc) =	sbr.rel $0x88, $3  }
0x1: {  	(tag) =	ssettag $0x0;
	lr =	simm.s32 $0x1  }
0x2: {  	[smem:$0x3F84] =	sst lr;
	_ =	strace $0xD0000000  }
0x3: {  	_ = 	snop  }
0x4: {  	_ = 	snop  }
0x5: {  	_ = 	snop  }
0x6: {  	_ = 	snop  }
0x7: {  	_ = 	snop  }
__scs_overlays_trampoline_lowered:
0x8: {  	[smem:$0x3F93] =	sst s0  }
0x9: {  	[smem:$0x3F94] =	sst s1  }
0xa: {  	[smem:$0x3F95] =	sst s2  }
0xb: {  	[smem:$0x3F96] =	sst s3  }
0xc: {  	[smem:$0x3F97] =	sst s4  }
0xd: {  	[smem:$0x3F98] =	sst s5  }
0xe: {  	[smem:$0x3F99] =	sst s6  }
0xf: {  	[smem:$0x3F9A] =	sst s7  }
0x10: {  	[smem:$0x3F9B] =	sst s8  }
0x11: {  	[smem:$0x3F9C] =	sst s9;
	s0 =	simm.s32 @!p0 $0x0  }
0x12: {  	s1 =	sld [smem:$0x3F82];
	s0 =	simm.s32 @p0 $0x1  }
0x13: {  	[smem:$0x3F9D] =	sst s0;
	s0 =	simm.s32 @!p1 $0x0  }
0x14: {  	s2 =	sld [smem:$0x3F81];
	s0 =	simm.s32 @p1 $0x1  }
0x15: {  	[smem:$0x3F9E] =	sst s0;
	s0 =	simm.s32 @!p2 $0x0  }
0x16: {  	s3 =	sld [smem:$0x3FDB];
	s0 =	simm.s32 @p2 $0x1  }
0x17: {  	s4 =	simm.s32 $0x1BF5;
	[smem:$0x3FA0] =	sst s0  }
0x18: {  	s0 =	sld [smem:$0x3F83];
	_ =	swait.ge [sflag:s4], $0x0  }
0x19: {  	s7 =	sld [smem:$0x3F84]  }
0x1a: {  	s8 =	sadd.s32 $0xFFFFE003, lr  }
0x1b: {  	s9 =	sadd.s32 $0xFFFFFEF7, lr;
	s5 =	simm.s32 $0xFFFFFFFF;
	p2 =	slt.u32 s8, $0xFFFFF086  }
0x1c: {  	p1 =	slt.u32 s9, $0xF7A;
	s5 =	simm.s32 @!p2 $0x0  }
0x1d: {  	s5 =	simm.s32 @p1 $0x1;
	p0 =	seq.s32 s7, s2  }
0x1e: {  	s7 =	smul.u32 @!p0 $0xF7A, s2;
	p2 =	seq.s32 @!p0 s5, $0x0  }
0x1f: {  	s9 =	smul.u32 $0xF7A, s1;
	s8 =	simm.s32 @!p0 $0x1BF5;
	p2 =	por !p2, p0  }
0x20: {  	[sflag:s8] =	ssyncset.s32 @!p0 $0xFFFFF086;
	s6 =	sadd.s32 @!p0 s3, s7;
	s7 =	simm.s32 @!p0 $0x108  }
0x21: {  	s3 =	sadd.s32 s3, s9;
	s6 =	sadd.s32 @!p0 $0x88, s6;
	s7 =	simm.s32 @p2 $0x1082  }
0x22: {  	[simem:s7], [sflag:s8] =	dma.local @!p0 [hbm:s6], $0xF7A  }
0x23: {  	s9 =	sor.u32 $0xD0000000, s2;
	s6 =	simm.s32 $0x108;
	_ =	swait.ge @!p0 [sflag:s8], $0x0  }
0x24: {  	s3 =	sadd.s32 $0x88, s3;
	s6 =	simm.s32 @!p1 $0x1082;
	[sflag:s4] =	ssyncset.s32 $0xFFFFF086  }
0x25: {  	[simem:s6], [sflag:s4] =	dma.local [hbm:s3], $0xF7A  }
0x26: {  	[smem:$0x3F84] =	sst s1;
	(tag) =	ssettag s2;
	_ =	strace s9  }
0x27: {  	s1 =	sld [smem:$0x3F94]  }
0x28: {  	s2 =	sld [smem:$0x3F95]  }
0x29: {  	s4 =	sld [smem:$0x3F97]  }
0x2a: {  	p0 =	seq.s32 s5, $0x0;
	s5 =	sld [smem:$0x3F98]  }
0x2b: {  	s6 =	sld [smem:$0x3F99]  }
0x2c: {  	s7 =	sld [smem:$0x3F9A]  }
0x2d: {  	s3 =	simm.s32 $0x108;
	s8 =	sld [smem:$0x3F9B]  }
0x2e: {  	s3 =	simm.s32 @!p0 $0x1082;
	s9 =	sld [smem:$0x3F9C]  }
0x2f: {  	lr =	sadd.s32 s0, s3;
	s0 =	sld [smem:$0x3F93]  }
0x30: {  	s3 =	sld [smem:$0x3F96]  }
0x31: {  	[smem:$0x3F9F] =	sst s10  }
0x32: {  	s10 =	sld [smem:$0x3F9D];
	_ =	sdelay $0x3  }
0x33: {  	p0 =	seq.s32 s10, $0x1;
	s10 =	sld [smem:$0x3F9F];
	_ =	sdelay $0x3  }
0x34: {  	[smem:$0x3F9F] =	sst s10  }
0x35: {  	s10 =	sld [smem:$0x3F9E];
	_ =	sdelay $0x3  }
0x36: {  	p1 =	seq.s32 s10, $0x1;
	s10 =	sld [smem:$0x3F9F];
	_ =	sdelay $0x3  }
0x37: {  	[smem:$0x3F9F] =	sst s10  }
0x38: {  	s10 =	sld [smem:$0x3FA0]  }
0x39: {  	_ = 	snop;
	(pc) =	sbr.ind lr, $3  }
0x3a: {  	_ = 	snop  }
0x3b: {  	_ = 	snop  }
0x3c: {  	p2 =	seq.s32 s10, $0x1;
	s10 =	sld [smem:$0x3F9F]  }
0x3d: {  	_ =	shalt  }
0x3e: {  	_ =	shalt  }
0x3f: {  	_ =	shalt  }
0x40: {  	_ =	shalt  }
0x41: {  	_ =	shalt  }
0x42: {  	_ =	shalt  }
0x43: {  	_ =	shalt  }
0x44: {  	_ =	shalt  }
0x45: {  	_ =	shalt  }
0x46: {  	_ =	shalt  }
0x47: {  	_ =	shalt  }
0x48: {  	_ =	shalt  }
0x49: {  	_ =	shalt  }
0x4a: {  	_ =	shalt  }
0x4b: {  	_ =	shalt  }
0x4c: {  	_ =	shalt  }
0x4d: {  	_ =	shalt  }
0x4e: {  	_ =	shalt  }
0x4f: {  	_ =	shalt  }
0x50: {  	_ =	shalt  }
0x51: {  	_ =	shalt  }
0x52: {  	_ =	shalt  }
0x53: {  	_ =	shalt  }
0x54: {  	_ =	shalt  }
0x55: {  	_ =	shalt  }
0x56: {  	_ =	shalt  }
0x57: {  	_ =	shalt  }
0x58: {  	_ =	shalt  }
0x59: {  	_ =	shalt  }
0x5a: {  	_ =	shalt  }
0x5b: {  	_ =	shalt  }
0x5c: {  	_ =	shalt  }
0x5d: {  	_ =	shalt  }
0x5e: {  	_ =	shalt  }
0x5f: {  	_ =	shalt  }
0x60: {  	_ =	shalt  }
0x61: {  	_ =	shalt  }
0x62: {  	_ =	shalt  }
0x63: {  	_ =	shalt  }
0x64: {  	_ =	shalt  }
0x65: {  	_ =	shalt  }
0x66: {  	_ =	shalt  }
0x67: {  	_ =	shalt  }
0x68: {  	_ =	shalt  }
0x69: {  	_ =	shalt  }
0x6a: {  	_ =	shalt  }
0x6b: {  	_ =	shalt  }
0x6c: {  	_ =	shalt  }
0x6d: {  	_ =	shalt  }
0x6e: {  	_ =	shalt  }
0x6f: {  	_ =	shalt  }
0x70: {  	_ =	shalt  }
0x71: {  	_ =	shalt  }
0x72: {  	_ =	shalt  }
0x73: {  	_ =	shalt  }
0x74: {  	_ =	shalt  }
0x75: {  	_ =	shalt  }
0x76: {  	_ =	shalt  }
0x77: {  	_ =	shalt  }
0x78: {  	_ =	shalt  }
0x79: {  	_ =	shalt  }
0x7a: {  	_ =	shalt  }
0x7b: {  	_ =	shalt  }
0x7c: {  	_ =	shalt  }
0x7d: {  	_ =	shalt  }
0x7e: {  	_ =	shalt  }
0x7f: {  	_ =	shalt  }
0x80: {  	_ =	shalt  }
0x81: {  	_ =	shalt  }
0x82: {  	_ =	shalt  }
0x83: {  	_ =	shalt  }
0x84: {  	_ =	shalt  }
0x85: {  	_ =	shalt  }
0x86: {  	_ =	shalt  }
0x87: {  	_ =	shalt  }
.Lfunc_end0:
.L_simem_size_0:
called_computation_lowered:
.L_overlay_start_0:
0x88: {  	s2 =	sld [smem:$0x3FD9]  }
0x89: {  	s3 =	sld [smem:$0x3FFE];
	_ =	sdelay $0x1  }
0x8a: {  	s1 =	srdreg.scid  }
0x8b: {  	s0 =	sand.u32 $0x1, s1  }
0x8c: {  	s14 =	sshll.u32 s0, $0xA;
	s2 =	sadd.s32 s3, s2  }
0x8d: {  	s2 =	sadd.s32 s2, s14  }
0x8e: {  	[smem:$0x3FAB] =	sst s2  }
0x8f: {  	_ = 	snop  }
0x90: {  	s2 =	sld [smem:$0x3FD0];
	_ =	sdelay $0x2  }
0x91: {  	s15 =	simm.s32 $0xA;
	s4 =	simm.s32 $0x10  }
0x92: {  	[smem:s4], [sflag:s15] =	dma.local [hbm:s2], $0x1  }
0x93: {  	_ =	swait.eq [sflag:s15], $0x1  }
0x94: {  	[sflag:s15] =	ssyncset.done $0x0  }
0x95: {  	[sflag:s15] =	ssyncadd.s32 $0xFFFFFFFF  }
0x96: {  	s16 =	sld [smem:$0x12];
	(tm) =	ssettm $0x1  }
0x97: {  	s17 =	sld [smem:$0x3FFB];
	_ =	sdelay $0x3  }
0x98: {  	_ =	strace s17  }
0x99: {  	s3 =	sld [smem:$0x3FFC];
	_ =	sdelay $0x3  }
0x9a: {  	_ =	strace s3  }
0x9b: {  	s3 =	sld [smem:$0x3FFD];
	_ =	sdelay $0x3  }
0x9c: {  	_ =	strace s3  }
0x9d: {  	_ =	strace $0x8FFFFFFF  }
0x9e: {  	s18 =	sld [smem:$0x3FDB];
	_ =	sdelay $0x1  }
0x9f: {  	s19 =	simm.s32 $_scs_section_size  }
0xa0: {  	s5 =	simm.s32 $_size__tile_overlayer_lowered;
	s6 =	simm.s32 $_tile_overlayer_lowered  }
0xa1: {  	s22 =	simm.s32 $0x1BFF;
	s21 =	sshll.u32 s6, $0x1;
	s3 =	sadd.s32 s19, s18  }
0xa2: {  	s7 =	simm.s32 $0x0;
	s20 =	sshll.u32 s5, $0x1;
	s5 =	sadd.s32 s21, s3  }
0xa3: {  	[timem:s7], [sflag:s22] =	dma.local [hbm:s5], s20  }
0xa4: {  	_ =	swait.ge [sflag:s22], s20  }
0xa5: {  	s4 =	ssub.s32 $0x0, s20;
	[sflag:s22] =	ssyncset.done $0x0  }
0xa6: {  	[sflag:s22] =	ssyncadd.s32 s4;
	_ =	sdelay $0x1  }
0xa7: {  	s23 =	simm.s32 $0x1B8B  }
0xa8: {  	_ =	swait.ge [sflag:s23], $0x1  }
0xa9: {  	[sflag:s23] =	ssyncset.done $0x0  }
0xaa: {  	s25 =	simm.s32 $0x1B8E;
	s24 =	sld [smem:$0x3FFE];
	[sflag:s23] =	ssyncadd.s32 $0xFFFFFFFF  }
0xab: {  	s26 =	simm.s32 $execute0_lowered;
	[smem:$0x3FD2] =	sst s25  }
0xac: {  	s5 =	sshll.u32 s26, $0x1;
	_ =	strace $0x80000046;
	[dreg:$0x1] =	wrdreg $0xFFFFFFFF  }
0xad: {  	s28 =	simm.s32 $_size_execute0_lowered;
	s3 =	sadd.s32 s3, s5;
	[dreg:$0x0] =	wrdreg $0x0  }
0xae: {  	s5 =	sshll.u32 s28, $0x1;
	[dreg:$0x2] =	wrdreg s3  }
0xaf: {  	[dreg:$0x3] =	wrdreg s5  }
0xb0: {  	[dreg:$0x4] =	wrdreg $0xC0  }
0xb1: {  	_ =	task [dreg:s7], $0x5FFFF  }
0xb2: {  	[dreg:$0x1] =	wrdreg $0xFFFFFFFF  }
0xb3: {  	[dreg:$0x0] =	wrdreg $0x60  }
0xb4: {  	[dreg:$0x2] =	wrdreg s24  }
0xb5: {  	[dreg:$0x3] =	wrdreg s16  }
0xb6: {  	[dreg:$0x4] =	wrdreg $0x9  }
0xb7: {  	_ =	task.clear_ibuf [dreg:s7], $0x5FFFF;
	_ =	strace $0x90000046  }
0xb8: {  	s29 =	simm.s32 $0x9;
	_ =	strace $0x80000048  }
0xb9: {  	_ =	swait.ge [sflag:s29], $0x1  }
0xba: {  	[sflag:s29] =	ssyncadd.s32 $0xFFFFFFFF  }
0xbb: {  	_ =	strace $0x90000048  }
0xbc: {  	_ =	sfence  }
0xbd: {  	s30 =	sld [smem:$0x0];
	_ =	sdelay $0x2  }
0xbe: {  	s31 =	sshll.u32 s1, $0xD;
	s1 =	sshrl.u32 s1, $0x2  }
0xbf: {  	s3 =	sand.u32 $0x4000, s31;
	s1 =	sadd.s32 s1, s30  }
0xc0: {  	s0 =	sor.u32 s3, s0;
	s1 =	sshll.u32 s1, $0x11  }
0xc1: {  	s0 =	sor.u32 s1, s0  }
0xc2: {  	s0 =	sadd.s32 $0x8F2B, s0  }
0xc3: {  	[sflag:s0] =	ssyncadd.remote.s32 $0x1  }
0xc4: {  	_ =	sfence.sel $0xFFFF  }
0xc5: {  	[dreg:$0x0] =	wrdreg $0xFFFFFFFF;
	(pc) =	sbr.abs _section_cstart, $3  }
0xc6: {  	[dreg:$0x1] =	wrdreg $0xFFFFFFFF  }
0xc7: {  	_ =	task.clear_ibuf [dreg:s7], $0x2FFFF;
	_ =	strace $0x9FFFFFFF  }
0xc8: {  	(tm) =	ssettm $0x7FFFFFFF  }
0xc9: {  	_ =	shalt  }
tec
execute0_lowered:
.L_overlay_start_1:
0x0: {  	(tag) =	ssettag $0x1  }
0x1: {  	s1 =	srdreg.scid;
	s5 =	rddreg [dreg:$0x0]  }
0x2: {  	s0 =	stileid.u32;
	s4 =	rddreg [dreg:$0x1];
	s23 =	simm.s32 $0x880  }
0x3: {  	s24 =	simm.s32 $0x1080;
	s25 =	simm.s32 $0x1880;
	s26 =	simm.s32 $0x2080  }
0x4: {  	s10 =	simm.s32 $0x3080;
	s11 =	simm.s32 $0x3880;
	s12 =	simm.s32 $0x4080  }
0x5: {  	s13 =	simm.s32 $0x4880;
	s14 =	simm.s32 $0x5080;
	s15 =	simm.s32 $0x5880  }
0x6: {  	s16 =	simm.s32 $0x6080;
	s17 =	simm.s32 $0x6880;
	s18 =	simm.s32 $0x7080  }
0x7: {  	s19 =	simm.s32 $0x7880;
	s20 =	simm.s32 $0x8080;
	s21 =	simm.s32 $0x8880  }
0x8: {  	s22 =	simm.s32 $0x9080;
	s28 =	simm.s32 $0xB880;
	s29 =	simm.s32 $0xC080  }
0x9: {  	s30 =	simm.s32 $0xC880;
	s1 =	sand.u32 $0x1, s1;
	s2 =	sshll.u32 s0, $0x1  }
0xa: {  	s31 =	simm.s32 $0xD080;
	s3 =	sor.u32 s1, s2;
	s2 =	simm.s32 $0x0  }
0xb: {  	s1 =	ssub.s32 $0x2, s1;
	s6 =	smul.u32 $0x1B00, s3;
	[smem:$0x7FF] =	sst s2  }
0xc: {  	s7 =	smul.u32 $0x9, s3;
	_ =	strace $0x80000047;
	[dreg:$0x5] =	wrdreg s23  }
0xd: {  	s3 =	sadd.s32 $0x3400, s5;
	s8 =	sshrl.u32 s1, $0x1;
	[dreg:$0x6] =	wrdreg s24  }
0xe: {  	s1 =	ssub.s32 s1, s8;
	s8 =	simm.s32 $0x80;
	[dreg:$0x7] =	wrdreg s25  }
0xf: {  	[dreg:$0x8] =	wrdreg s26;
	s23 =	simm.s32 $0x9880;
	s24 =	simm.s32 $0xA080  }
0x10: {  	s25 =	simm.s32 $0xA880;
	s26 =	simm.s32 $0xB080;
	s4 =	sadd.s32 s4, s7  }
0x11: {  	v2 =	vlaneseq.u32;
	s6 =	sadd.s32 s6, s5;
	s7 =	simm.s32 $0x2;
	[dreg:$0x3] =	wrdreg s4  }
0x12: {  	vm0 =	vmmov $0xffff;
	v1 =	vshrl.u32 v2, $0x3;
	s4 =	sadd.s32 $0x3500, s5;
	s6 =	sadd.s32 $0x1E400, s6;
	s5 =	sadd.s32 $0x3600, s5  }
0x13: {  	v0 =	vand.u32 $0x7, v2;
	v2 =	vor.u32 $0x8, v2;
	v1 =	vmul.u32 $0x8, v1;
	[dreg:$0x4] =	wrdreg s6;
	s6 =	smax.u32 s1, $0x1;
	s1 =	simm.s32 $0x1  }
.LBB2_1:
0x14: {  	s0 =	rddreg [dreg:$0x3]  }
0x15: {  	[tilespmem:s2], [sflag:$0x2] =	stream.linear.gather [hbm4b:s0+s2], $0x48, $0x38;
	[tilespmem:$0xD880] =	vst v63  }
0x16: {  	_ =	swait.ge [sflag:s7], $0x48  }
0x17: {  	[sflag:s7] =	ssyncset.done $0x0  }
0x18: {  	[sflag:s7] =	ssyncadd.s32 $0xFFFFFFB8  }
0x19: {  	v3 =	vld [tilespmem:$0x0];
	_ =	sdelay $0x4  }
0x1a: {  	v4 =	vshrl.u32 v3, $0x3  }
0x1b: {  	v4 =	vmul.u32 $0x30, v4  }
0x1c: {  	v3 =	vand.u32 $0x7, v3  }
0x1d: {  	v3 =	vor.u32 v3, v4  }
0x1e: {  	v4 =	vperm.xlane v3, v0;
	_ =	sdelay $0x1  }
0x1f: {  	v4 =	vadd.s32 v1, v4;
	_ =	sdelay $0x3  }
0x20: {  	v3 =	vperm.xlane v3, v2  }
0x21: {  	[tilespmem:s8], [sflag:$0x1] =	stream.indirect_vreg.gather [hbm4b:s3+s2], $0x80, v4, vm0, $0xb8;
	[tilespmem:$0xD880] =	vst v63  }
0x22: {  	s0 =	rddreg [dreg:$0x5];
	v3 =	vadd.s32 v1, v3  }
0x23: {  	[tilespmem:s0], [sflag:$0x1] =	stream.indirect_vreg.gather [hbm4b:s4+s2], $0x80, v4, vm0, $0xb8;
	[tilespmem:$0xD880] =	vst v63  }
0x24: {  	s9 =	rddreg [dreg:$0x6]  }
0x25: {  	[tilespmem:s9], [sflag:$0x1] =	stream.indirect_vreg.gather [hbm4b:s5+s2], $0x80, v4, vm0, $0xb8;
	[tilespmem:$0xD880] =	vst v63  }
0x26: {  	s0 =	rddreg [dreg:$0x7]  }
0x27: {  	[tilespmem:s0], [sflag:$0x1] =	stream.indirect_vreg.gather [hbm4b:s3+s2], $0x80, v3, vm0, $0xb8;
	[tilespmem:$0xD880] =	vst v63  }
0x28: {  	s9 =	rddreg [dreg:$0x8]  }
0x29: {  	[tilespmem:s9], [sflag:$0x1] =	stream.indirect_vreg.gather [hbm4b:s4+s2], $0x80, v3, vm0, $0xb8;
	[tilespmem:$0xD880] =	vst v63  }
0x2a: {  	s9 =	simm.s32 $0x2880  }
0x2b: {  	[tilespmem:s9], [sflag:$0x1] =	stream.indirect_vreg.gather [hbm4b:s5+s2], $0x80, v3, vm0, $0xb8;
	[tilespmem:$0xD880] =	vst v63  }
0x2c: {  	v3 =	vld [tilespmem:$0x10];
	_ =	sdelay $0x4  }
0x2d: {  	v60 =	vshrl.u32 v3, $0x3  }
0x2e: {  	v4 =	vmul.u32 $0x30, v60  }
0x2f: {  	v3 =	vand.u32 $0x7, v3  }
0x30: {  	v3 =	vor.u32 v3, v4  }
0x31: {  	v4 =	vperm.xlane v3, v0;
	_ =	sdelay $0x1  }
0x32: {  	v4 =	vadd.s32 v1, v4;
	_ =	sdelay $0x3  }
0x33: {  	v3 =	vperm.xlane v3, v2  }
0x34: {  	[tilespmem:s10], [sflag:$0x1] =	stream.indirect_vreg.gather [hbm4b:s3+s2], $0x80, v4, vm0, $0xb8;
	[tilespmem:$0xD880] =	vst v63  }
0x35: {  	v3 =	vadd.s32 v1, v3  }
0x36: {  	[tilespmem:s11], [sflag:$0x1] =	stream.indirect_vreg.gather [hbm4b:s4+s2], $0x80, v4, vm0, $0xb8;
	[tilespmem:$0xD880] =	vst v63  }
0x37: {  	_ = 	snop  }
0x38: {  	[tilespmem:s12], [sflag:$0x1] =	stream.indirect_vreg.gather [hbm4b:s5+s2], $0x80, v4, vm0, $0xb8;
	[tilespmem:$0xD880] =	vst v63  }
0x39: {  	_ = 	snop  }
0x3a: {  	[tilespmem:s13], [sflag:$0x1] =	stream.indirect_vreg.gather [hbm4b:s3+s2], $0x80, v3, vm0, $0xb8;
	[tilespmem:$0xD880] =	vst v63  }
0x3b: {  	_ = 	snop  }
0x3c: {  	[tilespmem:s14], [sflag:$0x1] =	stream.indirect_vreg.gather [hbm4b:s4+s2], $0x80, v3, vm0, $0xb8;
	[tilespmem:$0xD880] =	vst v63  }
0x3d: {  	_ = 	snop  }
0x3e: {  	[tilespmem:s15], [sflag:$0x1] =	stream.indirect_vreg.gather [hbm4b:s5+s2], $0x80, v3, vm0, $0xb8;
	[tilespmem:$0xD880] =	vst v63  }
0x3f: {  	v3 =	vld [tilespmem:$0x20];
	_ =	sdelay $0x4  }
0x40: {  	v61 =	vshrl.u32 v3, $0x3  }
0x41: {  	v4 =	vmul.u32 $0x30, v61  }
0x42: {  	v3 =	vand.u32 $0x7, v3  }
0x43: {  	v3 =	vor.u32 v3, v4  }
0x44: {  	v4 =	vperm.xlane v3, v0;
	_ =	sdelay $0x1  }
0x45: {  	v4 =	vadd.s32 v1, v4;
	_ =	sdelay $0x3  }
0x46: {  	v3 =	vperm.xlane v3, v2  }
0x47: {  	[tilespmem:s16], [sflag:$0x1] =	stream.indirect_vreg.gather [hbm4b:s3+s2], $0x80, v4, vm0, $0xb8;
	[tilespmem:$0xD880] =	vst v63  }
0x48: {  	v3 =	vadd.s32 v1, v3  }
0x49: {  	[tilespmem:s17], [sflag:$0x1] =	stream.indirect_vreg.gather [hbm4b:s4+s2], $0x80, v4, vm0, $0xb8;
	[tilespmem:$0xD880] =	vst v63  }
0x4a: {  	_ = 	snop  }
0x4b: {  	[tilespmem:s18], [sflag:$0x1] =	stream.indirect_vreg.gather [hbm4b:s5+s2], $0x80, v4, vm0, $0xb8;
	[tilespmem:$0xD880] =	vst v63  }
0x4c: {  	_ = 	snop  }
0x4d: {  	[tilespmem:s19], [sflag:$0x1] =	stream.indirect_vreg.gather [hbm4b:s3+s2], $0x80, v3, vm0, $0xb8;
	[tilespmem:$0xD880] =	vst v63  }
0x4e: {  	_ = 	snop  }
0x4f: {  	[tilespmem:s20], [sflag:$0x1] =	stream.indirect_vreg.gather [hbm4b:s4+s2], $0x80, v3, vm0, $0xb8;
	[tilespmem:$0xD880] =	vst v63  }
0x50: {  	_ = 	snop  }
0x51: {  	[tilespmem:s21], [sflag:$0x1] =	stream.indirect_vreg.gather [hbm4b:s5+s2], $0x80, v3, vm0, $0xb8;
	[tilespmem:$0xD880] =	vst v63  }
0x52: {  	v3 =	vld [tilespmem:$0x30];
	_ =	sdelay $0x4  }
0x53: {  	v62 =	vshrl.u32 v3, $0x3  }
0x54: {  	v4 =	vmul.u32 $0x30, v62  }
0x55: {  	v3 =	vand.u32 $0x7, v3  }
0x56: {  	v3 =	vor.u32 v3, v4  }
0x57: {  	v4 =	vperm.xlane v3, v0;
	_ =	sdelay $0x1  }
0x58: {  	v4 =	vadd.s32 v1, v4;
	_ =	sdelay $0x3  }
0x59: {  	v3 =	vperm.xlane v3, v2  }
0x5a: {  	[tilespmem:s22], [sflag:$0x1] =	stream.indirect_vreg.gather [hbm4b:s3+s2], $0x80, v4, vm0, $0xb8;
	[tilespmem:$0xD880] =	vst v63  }
0x5b: {  	v3 =	vadd.s32 v1, v3  }
0x5c: {  	[tilespmem:s23], [sflag:$0x1] =	stream.indirect_vreg.gather [hbm4b:s4+s2], $0x80, v4, vm0, $0xb8;
	[tilespmem:$0xD880] =	vst v63  }
0x5d: {  	_ = 	snop  }
0x5e: {  	[tilespmem:s24], [sflag:$0x1] =	stream.indirect_vreg.gather [hbm4b:s5+s2], $0x80, v4, vm0, $0xb8;
	[tilespmem:$0xD880] =	vst v63  }
0x5f: {  	_ = 	snop  }
0x60: {  	[tilespmem:s25], [sflag:$0x1] =	stream.indirect_vreg.gather [hbm4b:s3+s2], $0x80, v3, vm0, $0xb8;
	[tilespmem:$0xD880] =	vst v63  }
0x61: {  	_ = 	snop  }
0x62: {  	[tilespmem:s26], [sflag:$0x1] =	stream.indirect_vreg.gather [hbm4b:s4+s2], $0x80, v3, vm0, $0xb8;
	[tilespmem:$0xD880] =	vst v63  }
0x63: {  	_ = 	snop  }
0x64: {  	[tilespmem:s28], [sflag:$0x1] =	stream.indirect_vreg.gather [hbm4b:s5+s2], $0x80, v3, vm0, $0xb8;
	[tilespmem:$0xD880] =	vst v63  }
0x65: {  	v3 =	vld.msk [tilespmem:$0x40], $0xff;
	_ =	sdelay $0x4  }
0x66: {  	v63 =	vshrl.u32 v3, $0x3  }
0x67: {  	v4 =	vmul.u32 $0x30, v63  }
0x68: {  	v3 =	vand.u32 $0x7, v3  }
0x69: {  	v3 =	vor.u32 v3, v4  }
0x6a: {  	v3 =	vperm.xlane v3, v0;
	_ =	sdelay $0x1  }
0x6b: {  	v3 =	vadd.s32 v1, v3;
	_ =	sdelay $0x4  }
0x6c: {  	[tilespmem:s29], [sflag:$0x1] =	stream.indirect_vreg.gather [hbm4b:s3+s2], $0x80, v3, vm0, $0xb8;
	[tilespmem:$0xD880] =	vst v63  }
0x6d: {  	_ = 	snop  }
0x6e: {  	[tilespmem:s30], [sflag:$0x1] =	stream.indirect_vreg.gather [hbm4b:s4+s2], $0x80, v3, vm0, $0xb8;
	[tilespmem:$0xD880] =	vst v63  }
0x6f: {  	_ = 	snop  }
0x70: {  	[tilespmem:s31], [sflag:$0x1] =	stream.indirect_vreg.gather [hbm4b:s5+s2], $0x80, v3, vm0, $0xb8;
	[tilespmem:$0xD880] =	vst v63  }
0x71: {  	_ =	swait.ge [sflag:s1], $0xD800  }
0x72: {  	p0 =	sne.s32 s6, $0x1;
	[sflag:s1] =	ssyncset.done $0x0  }
.Ltmp0:
0x73: {  	s9 =	rddreg [dreg:$0x4];
	[sflag:s1] =	ssyncadd.s32 $0xFFFF2800;
	(pc) =	sbr.rel @p0 .LBB2_1-.Ltmp0, $4  }
0x74: {  	[hbm4b:s9+s2] =	stream.linear.scatter [tilespmem:s8], [sflag:$0x2], $0xD800, $0x38;
	[tilespmem:$0xD880] =	vst v63  }
0x75: {  	_ =	swait.ge [sflag:s7], $0xD800  }
0x76: {  	[sflag:s7] =	ssyncset.done $0x0  }
0x77: {  	s6 =	sadd.s32 $0xFFFFFFFF, s6;
	[sflag:s7] =	ssyncadd.s32 $0xFFFF2800  }
0x78: {  	_ =	sfence.sel $0x180000  }
0x79: {  	[bflag:$0x0] =	sbarrier.arrive $0xFFFF  }
0x7a: {  	_ =	strace $0x90000047  }
0x7b: {  	s0 =	stileid.u32;
	[bflag:$0x2] =	sbarrier.arrive $0xFFFF  }
0x7c: {  	p0 =	sne.s32 s0, $0x0;
	s0 =	rddreg [dreg:$0x2]  }
0x7d: {  	s0 =	sadd.s32 @!p0 $0x100000, s0  }
0x7e: {  	[sflag:s0] =	ssyncadd.tile.s32 @!p0 $0x1;
	_ =	shalt  }
.Lfunc_end2:
_tile_overlayer_lowered:
.L_overlay_start_2:
0x7f: {  	(tag) =	ssettag $0x2  }
0x80: {  	s0 =	rddreg [dreg:$0x0];
	s2 =	stileid.u32  }
0x81: {  	s1 =	rddreg [dreg:$0x1];
	p0 =	sne.s32 s2, $0x0  }
0x82: {  	s3 =	rddreg [dreg:$0x2];
	[bflag:$0x3] =	sbarrier.arrive $0xFFFF;
	s2 =	simm.s32 @!p0 $0x1C02  }
0x83: {  	[timem:s3], [sflag:s2] =	dma.local @!p0 [hbm:s0], s1  }
0x84: {  	s0 =	simm.s32 @!p0 $0x2  }
0x85: {  	_ =	swait.ge @!p0 [sflag:s0], s1  }
0x86: {  	s1 =	ssub.s32 @!p0 $0x0, s1;
	[sflag:s0] =	ssyncset.done @!p0 $0x0  }
0x87: {  	[sflag:s0] =	ssyncadd.s32 @!p0 s1  }
0x88: {  	[bflag:$0x3] =	sbarrier.arrive $0xFFFF  }
0x89: {  	_ =	shalt  }

// kernel: kernel.15.cloned.1.call-start
scs
__scs_entry_jumppad:
0x0: {  	(pc) =	sbr.rel $0x88, $3  }
0x1: {  	(tag) =	ssettag $0x0;
	lr =	simm.s32 $0x1  }
0x2: {  	[smem:$0x3F84] =	sst lr;
	_ =	strace $0xD0000000  }
0x3: {  	_ = 	snop  }
0x4: {  	_ = 	snop  }
0x5: {  	_ = 	snop  }
0x6: {  	_ = 	snop  }
0x7: {  	_ = 	snop  }
__scs_overlays_trampoline_lowered:
0x8: {  	[smem:$0x3F93] =	sst s0  }
0x9: {  	[smem:$0x3F94] =	sst s1  }
0xa: {  	[smem:$0x3F95] =	sst s2  }
0xb: {  	[smem:$0x3F96] =	sst s3  }
0xc: {  	[smem:$0x3F97] =	sst s4  }
0xd: {  	[smem:$0x3F98] =	sst s5  }
0xe: {  	[smem:$0x3F99] =	sst s6  }
0xf: {  	[smem:$0x3F9A] =	sst s7  }
0x10: {  	[smem:$0x3F9B] =	sst s8  }
0x11: {  	[smem:$0x3F9C] =	sst s9;
	s0 =	simm.s32 @!p0 $0x0  }
0x12: {  	s1 =	sld [smem:$0x3F82];
	s0 =	simm.s32 @p0 $0x1  }
0x13: {  	[smem:$0x3F9D] =	sst s0;
	s0 =	simm.s32 @!p1 $0x0  }
0x14: {  	s2 =	sld [smem:$0x3F81];
	s0 =	simm.s32 @p1 $0x1  }
0x15: {  	[smem:$0x3F9E] =	sst s0;
	s0 =	simm.s32 @!p2 $0x0  }
0x16: {  	s3 =	sld [smem:$0x3FDB];
	s0 =	simm.s32 @p2 $0x1  }
0x17: {  	s4 =	simm.s32 $0x1BF5;
	[smem:$0x3FA0] =	sst s0  }
0x18: {  	s0 =	sld [smem:$0x3F83];
	_ =	swait.ge [sflag:s4], $0x0  }
0x19: {  	s7 =	sld [smem:$0x3F84]  }
0x1a: {  	s8 =	sadd.s32 $0xFFFFE003, lr  }
0x1b: {  	s9 =	sadd.s32 $0xFFFFFEF7, lr;
	s5 =	simm.s32 $0xFFFFFFFF;
	p2 =	slt.u32 s8, $0xFFFFF086  }
0x1c: {  	p1 =	slt.u32 s9, $0xF7A;
	s5 =	simm.s32 @!p2 $0x0  }
0x1d: {  	s5 =	simm.s32 @p1 $0x1;
	p0 =	seq.s32 s7, s2  }
0x1e: {  	s7 =	smul.u32 @!p0 $0xF7A, s2;
	p2 =	seq.s32 @!p0 s5, $0x0  }
0x1f: {  	s9 =	smul.u32 $0xF7A, s1;
	s8 =	simm.s32 @!p0 $0x1BF5;
	p2 =	por !p2, p0  }
0x20: {  	[sflag:s8] =	ssyncset.s32 @!p0 $0xFFFFF086;
	s6 =	sadd.s32 @!p0 s3, s7;
	s7 =	simm.s32 @!p0 $0x108  }
0x21: {  	s3 =	sadd.s32 s3, s9;
	s6 =	sadd.s32 @!p0 $0x88, s6;
	s7 =	simm.s32 @p2 $0x1082  }
0x22: {  	[simem:s7], [sflag:s8] =	dma.local @!p0 [hbm:s6], $0xF7A  }
0x23: {  	s9 =	sor.u32 $0xD0000000, s2;
	s6 =	simm.s32 $0x108;
	_ =	swait.ge @!p0 [sflag:s8], $0x0  }
0x24: {  	s3 =	sadd.s32 $0x88, s3;
	s6 =	simm.s32 @!p1 $0x1082;
	[sflag:s4] =	ssyncset.s32 $0xFFFFF086  }
0x25: {  	[simem:s6], [sflag:s4] =	dma.local [hbm:s3], $0xF7A  }
0x26: {  	[smem:$0x3F84] =	sst s1;
	(tag) =	ssettag s2;
	_ =	strace s9  }
0x27: {  	s1 =	sld [smem:$0x3F94]  }
0x28: {  	s2 =	sld [smem:$0x3F95]  }
0x29: {  	s4 =	sld [smem:$0x3F97]  }
0x2a: {  	p0 =	seq.s32 s5, $0x0;
	s5 =	sld [smem:$0x3F98]  }
0x2b: {  	s6 =	sld [smem:$0x3F99]  }
0x2c: {  	s7 =	sld [smem:$0x3F9A]  }
0x2d: {  	s3 =	simm.s32 $0x108;
	s8 =	sld [smem:$0x3F9B]  }
0x2e: {  	s3 =	simm.s32 @!p0 $0x1082;
	s9 =	sld [smem:$0x3F9C]  }
0x2f: {  	lr =	sadd.s32 s0, s3;
	s0 =	sld [smem:$0x3F93]  }
0x30: {  	s3 =	sld [smem:$0x3F96]  }
0x31: {  	[smem:$0x3F9F] =	sst s10  }
0x32: {  	s10 =	sld [smem:$0x3F9D];
	_ =	sdelay $0x3  }
0x33: {  	p0 =	seq.s32 s10, $0x1;
	s10 =	sld [smem:$0x3F9F];
	_ =	sdelay $0x3  }
0x34: {  	[smem:$0x3F9F] =	sst s10  }
0x35: {  	s10 =	sld [smem:$0x3F9E];
	_ =	sdelay $0x3  }
0x36: {  	p1 =	seq.s32 s10, $0x1;
	s10 =	sld [smem:$0x3F9F];
	_ =	sdelay $0x3  }
0x37: {  	[smem:$0x3F9F] =	sst s10  }
0x38: {  	s10 =	sld [smem:$0x3FA0]  }
0x39: {  	_ = 	snop;
	(pc) =	sbr.ind lr, $3  }
0x3a: {  	_ = 	snop  }
0x3b: {  	_ = 	snop  }
0x3c: {  	p2 =	seq.s32 s10, $0x1;
	s10 =	sld [smem:$0x3F9F]  }
0x3d: {  	_ =	shalt  }
0x3e: {  	_ =	shalt  }
0x3f: {  	_ =	shalt  }
0x40: {  	_ =	shalt  }
0x41: {  	_ =	shalt  }
0x42: {  	_ =	shalt  }
0x43: {  	_ =	shalt  }
0x44: {  	_ =	shalt  }
0x45: {  	_ =	shalt  }
0x46: {  	_ =	shalt  }
0x47: {  	_ =	shalt  }
0x48: {  	_ =	shalt  }
0x49: {  	_ =	shalt  }
0x4a: {  	_ =	shalt  }
0x4b: {  	_ =	shalt  }
0x4c: {  	_ =	shalt  }
0x4d: {  	_ =	shalt  }
0x4e: {  	_ =	shalt  }
0x4f: {  	_ =	shalt  }
0x50: {  	_ =	shalt  }
0x51: {  	_ =	shalt  }
0x52: {  	_ =	shalt  }
0x53: {  	_ =	shalt  }
0x54: {  	_ =	shalt  }
0x55: {  	_ =	shalt  }
0x56: {  	_ =	shalt  }
0x57: {  	_ =	shalt  }
0x58: {  	_ =	shalt  }
0x59: {  	_ =	shalt  }
0x5a: {  	_ =	shalt  }
0x5b: {  	_ =	shalt  }
0x5c: {  	_ =	shalt  }
0x5d: {  	_ =	shalt  }
0x5e: {  	_ =	shalt  }
0x5f: {  	_ =	shalt  }
0x60: {  	_ =	shalt  }
0x61: {  	_ =	shalt  }
0x62: {  	_ =	shalt  }
0x63: {  	_ =	shalt  }
0x64: {  	_ =	shalt  }
0x65: {  	_ =	shalt  }
0x66: {  	_ =	shalt  }
0x67: {  	_ =	shalt  }
0x68: {  	_ =	shalt  }
0x69: {  	_ =	shalt  }
0x6a: {  	_ =	shalt  }
0x6b: {  	_ =	shalt  }
0x6c: {  	_ =	shalt  }
0x6d: {  	_ =	shalt  }
0x6e: {  	_ =	shalt  }
0x6f: {  	_ =	shalt  }
0x70: {  	_ =	shalt  }
0x71: {  	_ =	shalt  }
0x72: {  	_ =	shalt  }
0x73: {  	_ =	shalt  }
0x74: {  	_ =	shalt  }
0x75: {  	_ =	shalt  }
0x76: {  	_ =	shalt  }
0x77: {  	_ =	shalt  }
0x78: {  	_ =	shalt  }
0x79: {  	_ =	shalt  }
0x7a: {  	_ =	shalt  }
0x7b: {  	_ =	shalt  }
0x7c: {  	_ =	shalt  }
0x7d: {  	_ =	shalt  }
0x7e: {  	_ =	shalt  }
0x7f: {  	_ =	shalt  }
0x80: {  	_ =	shalt  }
0x81: {  	_ =	shalt  }
0x82: {  	_ =	shalt  }
0x83: {  	_ =	shalt  }
0x84: {  	_ =	shalt  }
0x85: {  	_ =	shalt  }
0x86: {  	_ =	shalt  }
0x87: {  	_ =	shalt  }
.Lfunc_end0:
.L_simem_size_0:
called_computation.1_lowered:
.L_overlay_start_0:
0x88: {  	s2 =	sld [smem:$0x3FD9]  }
0x89: {  	s3 =	sld [smem:$0x3FFE];
	_ =	sdelay $0x1  }
0x8a: {  	s1 =	srdreg.scid  }
0x8b: {  	s0 =	sand.u32 $0x1, s1  }
0x8c: {  	s14 =	sshll.u32 s0, $0xA;
	s2 =	sadd.s32 s3, s2  }
0x8d: {  	s2 =	sadd.s32 s2, s14  }
0x8e: {  	[smem:$0x3FAB] =	sst s2  }
0x8f: {  	_ = 	snop  }
0x90: {  	s2 =	sld [smem:$0x3FD0];
	_ =	sdelay $0x2  }
0x91: {  	s15 =	simm.s32 $0xA;
	s4 =	simm.s32 $0x10  }
0x92: {  	[smem:s4], [sflag:s15] =	dma.local [hbm:s2], $0x1  }
0x93: {  	_ =	swait.eq [sflag:s15], $0x1  }
0x94: {  	[sflag:s15] =	ssyncset.done $0x0  }
0x95: {  	[sflag:s15] =	ssyncadd.s32 $0xFFFFFFFF  }
0x96: {  	s16 =	sld [smem:$0x11];
	(tm) =	ssettm $0x1  }
0x97: {  	s17 =	sld [smem:$0x3FFB];
	_ =	sdelay $0x3  }
0x98: {  	_ =	strace s17  }
0x99: {  	s3 =	sld [smem:$0x3FFC];
	_ =	sdelay $0x3  }
0x9a: {  	_ =	strace s3  }
0x9b: {  	s3 =	sld [smem:$0x3FFD];
	_ =	sdelay $0x3  }
0x9c: {  	_ =	strace s3  }
0x9d: {  	_ =	strace $0x8FFFFFFF  }
0x9e: {  	s18 =	sld [smem:$0x3FDB];
	_ =	sdelay $0x1  }
0x9f: {  	s19 =	simm.s32 $_scs_section_size  }
0xa0: {  	s5 =	simm.s32 $_size__tile_overlayer_lowered;
	s6 =	simm.s32 $_tile_overlayer_lowered  }
0xa1: {  	s22 =	simm.s32 $0x1BFF;
	s21 =	sshll.u32 s6, $0x1;
	s3 =	sadd.s32 s19, s18  }
0xa2: {  	s7 =	simm.s32 $0x0;
	s20 =	sshll.u32 s5, $0x1;
	s5 =	sadd.s32 s21, s3  }
0xa3: {  	[timem:s7], [sflag:s22] =	dma.local [hbm:s5], s20  }
0xa4: {  	_ =	swait.ge [sflag:s22], s20  }
0xa5: {  	s4 =	ssub.s32 $0x0, s20;
	[sflag:s22] =	ssyncset.done $0x0  }
0xa6: {  	[sflag:s22] =	ssyncadd.s32 s4;
	_ =	sdelay $0x1  }
0xa7: {  	s23 =	simm.s32 $0x1B8B  }
0xa8: {  	_ =	swait.ge [sflag:s23], $0x1  }
0xa9: {  	[sflag:s23] =	ssyncset.done $0x0  }
0xaa: {  	s25 =	simm.s32 $0x1B8E;
	s24 =	sld [smem:$0x3FFE];
	[sflag:s23] =	ssyncadd.s32 $0xFFFFFFFF  }
0xab: {  	s26 =	simm.s32 $execute0_lowered;
	[smem:$0x3FD2] =	sst s25  }
0xac: {  	s5 =	sshll.u32 s26, $0x1;
	_ =	strace $0x80000049;
	[dreg:$0x1] =	wrdreg $0xFFFFFFFF  }
0xad: {  	s28 =	simm.s32 $_size_execute0_lowered;
	s3 =	sadd.s32 s3, s5;
	[dreg:$0x0] =	wrdreg $0x0  }
0xae: {  	s5 =	sshll.u32 s28, $0x1;
	[dreg:$0x2] =	wrdreg s3  }
0xaf: {  	[dreg:$0x3] =	wrdreg s5  }
0xb0: {  	[dreg:$0x4] =	wrdreg $0xC0  }
0xb1: {  	_ =	task [dreg:s7], $0x5FFFF  }
0xb2: {  	[dreg:$0x1] =	wrdreg $0xFFFFFFFF  }
0xb3: {  	[dreg:$0x0] =	wrdreg $0x60  }
0xb4: {  	[dreg:$0x2] =	wrdreg s24  }
0xb5: {  	[dreg:$0x3] =	wrdreg s16  }
0xb6: {  	[dreg:$0x4] =	wrdreg $0x9  }
0xb7: {  	_ =	task.clear_ibuf [dreg:s7], $0x5FFFF;
	_ =	strace $0x90000049  }
0xb8: {  	s29 =	simm.s32 $0x9;
	_ =	strace $0x8000004B  }
0xb9: {  	_ =	swait.ge [sflag:s29], $0x1  }
0xba: {  	[sflag:s29] =	ssyncadd.s32 $0xFFFFFFFF  }
0xbb: {  	_ =	strace $0x9000004B  }
0xbc: {  	_ =	sfence  }
0xbd: {  	s30 =	sld [smem:$0x0];
	_ =	sdelay $0x2  }
0xbe: {  	s31 =	sshll.u32 s1, $0xD;
	s1 =	sshrl.u32 s1, $0x2  }
0xbf: {  	s3 =	sand.u32 $0x4000, s31;
	s1 =	sadd.s32 s1, s30  }
0xc0: {  	s0 =	sor.u32 s3, s0;
	s1 =	sshll.u32 s1, $0x11  }
0xc1: {  	s0 =	sor.u32 s1, s0  }
0xc2: {  	s0 =	sadd.s32 $0x8F2B, s0  }
0xc3: {  	[sflag:s0] =	ssyncadd.remote.s32 $0x1  }
0xc4: {  	_ =	sfence.sel $0xFFFF  }
0xc5: {  	[dreg:$0x0] =	wrdreg $0xFFFFFFFF;
	(pc) =	sbr.abs _section_cstart, $3  }
0xc6: {  	[dreg:$0x1] =	wrdreg $0xFFFFFFFF  }
0xc7: {  	_ =	task.clear_ibuf [dreg:s7], $0x2FFFF;
	_ =	strace $0x9FFFFFFF  }
0xc8: {  	(tm) =	ssettm $0x7FFFFFFF  }
0xc9: {  	_ =	shalt  }
tec
execute0_lowered:
.L_overlay_start_1:
0x0: {  	(tag) =	ssettag $0x1  }
0x1: {  	s1 =	srdreg.scid;
	s6 =	rddreg [dreg:$0x0]  }
0x2: {  	s0 =	stileid.u32;
	s4 =	rddreg [dreg:$0x1]  }
0x3: {  	s2 =	simm.s32 $0x0;
	s10 =	simm.s32 $0x80;
	s11 =	simm.s32 $0x880  }
0x4: {  	s12 =	simm.s32 $0x1080;
	s13 =	simm.s32 $0x1880;
	s14 =	simm.s32 $0x2080  }
0x5: {  	s15 =	simm.s32 $0x2880;
	s16 =	simm.s32 $0x3080;
	s17 =	simm.s32 $0x3880  }
0x6: {  	s18 =	simm.s32 $0x4080;
	s19 =	simm.s32 $0x4880;
	s20 =	simm.s32 $0x5080  }
0x7: {  	s21 =	simm.s32 $0x5880;
	s22 =	simm.s32 $0x6080;
	s23 =	simm.s32 $0x6880  }
0x8: {  	s24 =	simm.s32 $0x7080;
	s3 =	sand.u32 $0x1, s1;
	s31 =	sshll.u32 s0, $0x1  }
0x9: {  	s25 =	simm.s32 $0x1;
	s1 =	rddreg [dreg:$0x2];
	s5 =	sor.u32 s3, s31  }
0xa: {  	[smem:$0x7FF] =	sst s2;
	s8 =	ssub.s32 $0x2, s3;
	s7 =	smul.u32 $0xF00, s5  }
0xb: {  	_ =	strace $0x8000004A;
	s5 =	smul.u32 $0x5, s5;
	s9 =	sshrl.u32 s8, $0x1  }
0xc: {  	v2 =	vlaneseq.u32;
	s3 =	sadd.s32 $0x3400, s6;
	s8 =	ssub.s32 s8, s9;
	s9 =	simm.s32 $0x2  }
0xd: {  	vm0 =	vmmov $0xffff;
	v1 =	vshrl.u32 v2, $0x3;
	s7 =	sadd.s32 s7, s6;
	s4 =	sadd.s32 s4, s5;
	s5 =	sadd.s32 $0x3500, s6  }
0xe: {  	v0 =	vand.u32 $0x7, v2;
	v2 =	vor.u32 $0x8, v2;
	v1 =	vmul.u32 $0x8, v1;
	s6 =	sadd.s32 $0x3600, s6;
	s8 =	smax.u32 s8, $0x1;
	s7 =	sadd.s32 $0x39400, s7  }
.LBB2_1:
0xf: {  	[tilespmem:s2], [sflag:$0x2] =	stream.linear.gather [hbm4b:s4+s2], $0x28, $0x38;
	[tilespmem:$0x7880] =	vst v63  }
0x10: {  	_ =	swait.ge [sflag:s9], $0x28  }
0x11: {  	[sflag:s9] =	ssyncset.done $0x0  }
0x12: {  	[sflag:s9] =	ssyncadd.s32 $0xFFFFFFD8  }
0x13: {  	v3 =	vld [tilespmem:$0x0];
	_ =	sdelay $0x4  }
0x14: {  	v4 =	vshrl.u32 v3, $0x3  }
0x15: {  	v4 =	vmul.u32 $0x30, v4  }
0x16: {  	v3 =	vand.u32 $0x7, v3  }
0x17: {  	v3 =	vor.u32 v3, v4  }
0x18: {  	v4 =	vperm.xlane v3, v0;
	_ =	sdelay $0x1  }
0x19: {  	v4 =	vadd.s32 v1, v4;
	_ =	sdelay $0x3  }
0x1a: {  	v3 =	vperm.xlane v3, v2  }
0x1b: {  	[tilespmem:s10], [sflag:$0x1] =	stream.indirect_vreg.gather [hbm4b:s3+s2], $0x80, v4, vm0, $0xb8;
	[tilespmem:$0x7880] =	vst v63  }
0x1c: {  	v3 =	vadd.s32 v1, v3  }
0x1d: {  	[tilespmem:s11], [sflag:$0x1] =	stream.indirect_vreg.gather [hbm4b:s5+s2], $0x80, v4, vm0, $0xb8;
	[tilespmem:$0x7880] =	vst v63  }
0x1e: {  	_ = 	snop  }
0x1f: {  	[tilespmem:s12], [sflag:$0x1] =	stream.indirect_vreg.gather [hbm4b:s6+s2], $0x80, v4, vm0, $0xb8;
	[tilespmem:$0x7880] =	vst v63  }
0x20: {  	_ = 	snop  }
0x21: {  	[tilespmem:s13], [sflag:$0x1] =	stream.indirect_vreg.gather [hbm4b:s3+s2], $0x80, v3, vm0, $0xb8;
	[tilespmem:$0x7880] =	vst v63  }
0x22: {  	_ = 	snop  }
0x23: {  	[tilespmem:s14], [sflag:$0x1] =	stream.indirect_vreg.gather [hbm4b:s5+s2], $0x80, v3, vm0, $0xb8;
	[tilespmem:$0x7880] =	vst v63  }
0x24: {  	_ = 	snop  }
0x25: {  	[tilespmem:s15], [sflag:$0x1] =	stream.indirect_vreg.gather [hbm4b:s6+s2], $0x80, v3, vm0, $0xb8;
	[tilespmem:$0x7880] =	vst v63  }
0x26: {  	v3 =	vld [tilespmem:$0x10];
	_ =	sdelay $0x4  }
0x27: {  	v62 =	vshrl.u32 v3, $0x3  }
0x28: {  	v4 =	vmul.u32 $0x30, v62  }
0x29: {  	v3 =	vand.u32 $0x7, v3  }
0x2a: {  	v3 =	vor.u32 v3, v4  }
0x2b: {  	v4 =	vperm.xlane v3, v0;
	_ =	sdelay $0x1  }
0x2c: {  	v4 =	vadd.s32 v1, v4;
	_ =	sdelay $0x3  }
0x2d: {  	v3 =	vperm.xlane v3, v2  }
0x2e: {  	[tilespmem:s16], [sflag:$0x1] =	stream.indirect_vreg.gather [hbm4b:s3+s2], $0x80, v4, vm0, $0xb8;
	[tilespmem:$0x7880] =	vst v63  }
0x2f: {  	v3 =	vadd.s32 v1, v3  }
0x30: {  	[tilespmem:s17], [sflag:$0x1] =	stream.indirect_vreg.gather [hbm4b:s5+s2], $0x80, v4, vm0, $0xb8;
	[tilespmem:$0x7880] =	vst v63  }
0x31: {  	_ = 	snop  }
0x32: {  	[tilespmem:s18], [sflag:$0x1] =	stream.indirect_vreg.gather [hbm4b:s6+s2], $0x80, v4, vm0, $0xb8;
	[tilespmem:$0x7880] =	vst v63  }
0x33: {  	_ = 	snop  }
0x34: {  	[tilespmem:s19], [sflag:$0x1] =	stream.indirect_vreg.gather [hbm4b:s3+s2], $0x80, v3, vm0, $0xb8;
	[tilespmem:$0x7880] =	vst v63  }
0x35: {  	_ = 	snop  }
0x36: {  	[tilespmem:s20], [sflag:$0x1] =	stream.indirect_vreg.gather [hbm4b:s5+s2], $0x80, v3, vm0, $0xb8;
	[tilespmem:$0x7880] =	vst v63  }
0x37: {  	_ = 	snop  }
0x38: {  	[tilespmem:s21], [sflag:$0x1] =	stream.indirect_vreg.gather [hbm4b:s6+s2], $0x80, v3, vm0, $0xb8;
	[tilespmem:$0x7880] =	vst v63  }
0x39: {  	v3 =	vld.msk [tilespmem:$0x20], $0xff;
	_ =	sdelay $0x4  }
0x3a: {  	v63 =	vshrl.u32 v3, $0x3  }
0x3b: {  	v4 =	vmul.u32 $0x30, v63  }
0x3c: {  	v3 =	vand.u32 $0x7, v3  }
0x3d: {  	v3 =	vor.u32 v3, v4  }
0x3e: {  	v3 =	vperm.xlane v3, v0;
	_ =	sdelay $0x1  }
0x3f: {  	v3 =	vadd.s32 v1, v3;
	_ =	sdelay $0x4  }
0x40: {  	[tilespmem:s22], [sflag:$0x1] =	stream.indirect_vreg.gather [hbm4b:s3+s2], $0x80, v3, vm0, $0xb8;
	[tilespmem:$0x7880] =	vst v63  }
0x41: {  	_ = 	snop  }
0x42: {  	[tilespmem:s23], [sflag:$0x1] =	stream.indirect_vreg.gather [hbm4b:s5+s2], $0x80, v3, vm0, $0xb8;
	[tilespmem:$0x7880] =	vst v63  }
0x43: {  	_ = 	snop  }
0x44: {  	[tilespmem:s24], [sflag:$0x1] =	stream.indirect_vreg.gather [hbm4b:s6+s2], $0x80, v3, vm0, $0xb8;
	[tilespmem:$0x7880] =	vst v63  }
0x45: {  	_ =	swait.ge [sflag:s25], $0x7800  }
0x46: {  	p0 =	sne.s32 s8, $0x1;
	[sflag:s25] =	ssyncset.done $0x0  }
.Ltmp0:
0x47: {  	[sflag:s25] =	ssyncadd.s32 $0xFFFF8800;
	(pc) =	sbr.rel @p0 .LBB2_1-.Ltmp0, $4  }
0x48: {  	[hbm4b:s7+s2] =	stream.linear.scatter [tilespmem:s10], [sflag:$0x2], $0x7800, $0x38;
	[tilespmem:$0x7880] =	vst v63  }
0x49: {  	_ =	swait.ge [sflag:s9], $0x7800  }
0x4a: {  	[sflag:s9] =	ssyncset.done $0x0  }
0x4b: {  	s8 =	sadd.s32 $0xFFFFFFFF, s8;
	[sflag:s9] =	ssyncadd.s32 $0xFFFF8800  }
0x4c: {  	_ =	sfence.sel $0x180000  }
0x4d: {  	[bflag:$0x0] =	sbarrier.arrive $0xFFFF  }
0x4e: {  	p0 =	sne.s32 s0, $0x0;
	_ =	strace $0x9000004A  }
0x4f: {  	s0 =	sadd.s32 @!p0 $0x100000, s1;
	[bflag:$0x2] =	sbarrier.arrive $0xFFFF  }
0x50: {  	[sflag:s0] =	ssyncadd.tile.s32 @!p0 $0x1;
	_ =	shalt  }
.Lfunc_end2:
_tile_overlayer_lowered:
.L_overlay_start_2:
0x51: {  	(tag) =	ssettag $0x2  }
0x52: {  	s0 =	rddreg [dreg:$0x0];
	s2 =	stileid.u32  }
0x53: {  	s1 =	rddreg [dreg:$0x1];
	p0 =	sne.s32 s2, $0x0  }
0x54: {  	s3 =	rddreg [dreg:$0x2];
	[bflag:$0x3] =	sbarrier.arrive $0xFFFF;
	s2 =	simm.s32 @!p0 $0x1C02  }
0x55: {  	[timem:s3], [sflag:s2] =	dma.local @!p0 [hbm:s0], s1  }
0x56: {  	s0 =	simm.s32 @!p0 $0x2  }
0x57: {  	_ =	swait.ge @!p0 [sflag:s0], s1  }
0x58: {  	s1 =	ssub.s32 @!p0 $0x0, s1;
	[sflag:s0] =	ssyncset.done @!p0 $0x0  }
0x59: {  	[sflag:s0] =	ssyncadd.s32 @!p0 s1  }
0x5a: {  	[bflag:$0x3] =	sbarrier.arrive $0xFFFF  }
0x5b: {  	_ =	shalt  }

</sc_bundles>
